<compile_context>
chip_gen: v7x
topology: tpu7x:2x2x1
jax: 0.10.2.dev20260603
libtpu: 0.0.44.dev20260713+nightly
codegen_flags: <defaults>
</compile_context>

<pallas_src>
import functools
import jax
import jax.numpy as jnp
from jax import lax
from jax.experimental import pallas as pl
from jax.experimental.pallas import tpu as pltpu
from jax.experimental.pallas import tpu_sc as plsc

NN = 10000
DD = 128
EE = 320000
NC = 2
NS = 16
NW = NC * NS
EPW = EE // NW
BB = 128
NB = -(-EPW // BB)
STRIPE = 632
ACC_ROWS = NS * STRIPE
TRASH = NN
DW = 16


def _mesh():
    return plsc.VectorSubcoreMesh(core_axis_name="c", subcore_axis_name="s")


@functools.partial(
    pl.kernel,
    out_type=jax.ShapeDtypeStruct((NC, ACC_ROWS, DW), jnp.float32),
    mesh=_mesh(),
    scratch_types=[
        pltpu.VMEM((NB, BB), jnp.int32),
        pltpu.VMEM((BB, DW), jnp.float32),
        pltpu.VMEM_SHARED((ACC_ROWS, DW), jnp.float32),
    ],
)
def _sc_degree(dst_hbm, ones_hbm, zeros_hbm, out_hbm, dst_v, ones_v, acc):
    c = lax.axis_index("c")
    s = lax.axis_index("s")
    w = c * NS + s
    pltpu.sync_copy(dst_hbm.at[w], dst_v)
    pltpu.sync_copy(zeros_hbm, ones_v)
    base = s * STRIPE
    for off, sz in ((0, 128), (128, 128), (256, 128), (384, 128), (512, 120)):
        pltpu.sync_copy(ones_v.at[pl.ds(0, sz)], acc.at[pl.ds(base + off, sz)])
    pltpu.sync_copy(ones_hbm, ones_v)
    plsc.subcore_barrier()

    def body(j, carry):
        pltpu.sync_copy(ones_v, acc.at[dst_v.at[j]], add=True)
        return carry

    lax.fori_loop(0, NB, body, 0)
    plsc.subcore_barrier()
    pltpu.sync_copy(acc.at[pl.ds(base, STRIPE)], out_hbm.at[c, pl.ds(base, STRIPE)])


@functools.partial(
    pl.kernel,
    out_type=jax.ShapeDtypeStruct((NC, ACC_ROWS, DD), jnp.float32),
    mesh=_mesh(),
    scratch_types=[
        pltpu.VMEM((NB, BB), jnp.int32),
        pltpu.VMEM((NB, BB), jnp.int32),
        pltpu.VMEM((BB, DD), jnp.float32),
        pltpu.VMEM_SHARED((ACC_ROWS, DD), jnp.float32),
        pltpu.SemaphoreType.DMA,
    ],
)
def _sc_spmm(h_hbm, src_hbm, dst_hbm, zeros_hbm, out_hbm, src_v, dst_v,
             rows_v, acc, sem):
    c = lax.axis_index("c")
    s = lax.axis_index("s")
    w = c * NS + s
    pltpu.sync_copy(src_hbm.at[w], src_v)
    pltpu.sync_copy(dst_hbm.at[w], dst_v)
    pltpu.sync_copy(zeros_hbm, rows_v)
    base = s * STRIPE
    for off, sz in ((0, 128), (128, 128), (256, 128), (384, 128), (512, 120)):
        pltpu.sync_copy(rows_v.at[pl.ds(0, sz)], acc.at[pl.ds(base + off, sz)])
    plsc.subcore_barrier()

    def body(j, carry):
        pltpu.async_copy(h_hbm.at[src_v.at[j]], rows_v, sem).wait()
        pltpu.sync_copy(rows_v, acc.at[dst_v.at[j]], add=True)
        return carry

    lax.fori_loop(0, NB, body, 0)
    plsc.subcore_barrier()
    pltpu.sync_copy(acc.at[pl.ds(base, STRIPE)], out_hbm.at[c, pl.ds(base, STRIPE)])


def _tc_matmul_body(x_ref, w_ref, o_ref):
    o_ref[...] = jnp.dot(x_ref[...], w_ref[...],
                         preferred_element_type=jnp.float32)


def _tc_scale_body(degp_ref, y_ref, o_ref):
    o_ref[...] = y_ref[...] * _dinv_from(degp_ref[...])


def _dinv_from(degp):
    deg = degp[0, :NN, 0:1] + degp[1, :NN, 0:1] + 1.0
    return lax.rsqrt(deg)


def _tc_mid_body(degp_ref, p_ref, h_ref, b_ref, g_ref, bt_ref, w_ref, o_ref):
    dinv = _dinv_from(degp_ref[...])
    p = p_ref[...]
    agg = dinv * (p[0, :NN] + p[1, :NN] + h_ref[...]) + b_ref[...]
    mu = jnp.mean(agg, axis=0, keepdims=True)
    cen = agg - mu
    var = jnp.mean(cen * cen, axis=0, keepdims=True)
    z = g_ref[...] * cen * lax.rsqrt(var + 1e-5) + bt_ref[...]
    r = jnp.maximum(z, 0.0)
    o_ref[...] = jnp.dot(r, w_ref[...],
                         preferred_element_type=jnp.float32) * dinv


def _tc_final_body(degp_ref, p_ref, h_ref, b_ref, o_ref):
    dinv = _dinv_from(degp_ref[...])
    p = p_ref[...]
    o_ref[...] = dinv * (p[0, :NN] + p[1, :NN] + h_ref[...]) + b_ref[...]


def _f32(shape):
    return jax.ShapeDtypeStruct(shape, jnp.float32)


_tc_matmul = pl.pallas_call(_tc_matmul_body, out_shape=_f32((NN, DD)))
_tc_scale = pl.pallas_call(_tc_scale_body, out_shape=_f32((NN, DD)))
_tc_mid = pl.pallas_call(_tc_mid_body, out_shape=_f32((NN, DD)))
_tc_final = pl.pallas_call(_tc_final_body, out_shape=_f32((NN, DD)))


def kernel(x, edge_index, W1, b1, g1, bt1, W2, b2, g2, bt2, W3, b3):
    src = edge_index[0].reshape(NW, EPW)
    dst = edge_index[1].reshape(NW, EPW)
    pad = NB * BB - EPW
    src = jnp.pad(src, ((0, 0), (0, pad))).reshape(NW, NB, BB)
    dst = jnp.pad(dst, ((0, 0), (0, pad)),
                  constant_values=TRASH).reshape(NW, NB, BB)

    onesw = jnp.ones((BB, DW), jnp.float32)
    zerosw = jnp.zeros((BB, DW), jnp.float32)
    zerosd = jnp.zeros((BB, DD), jnp.float32)

    degp = _sc_degree(dst, onesw, zerosw)
    y1 = _tc_matmul(x, W1)
    h1 = _tc_scale(degp, y1)
    p1 = _sc_spmm(h1, src, dst, zerosd)
    h2 = _tc_mid(degp, p1, h1, b1.reshape(1, DD), g1.reshape(1, DD),
                 bt1.reshape(1, DD), W2)
    p2 = _sc_spmm(h2, src, dst, zerosd)
    h3 = _tc_mid(degp, p2, h2, b2.reshape(1, DD), g2.reshape(1, DD),
                 bt2.reshape(1, DD), W3)
    p3 = _sc_spmm(h3, src, dst, zerosd)
    return _tc_final(degp, p3, h3, b3.reshape(1, DD))

# --- scband reference (transcript-rebuilt; emitter-appended) ---
"""Pipeline reference for scband-model-21492016349602 (READ-ONLY COPY).

The authoritative reference and input builder live on the scoring server;
editing this copy changes nothing except your own understanding.
"""

import jax, jax.numpy as jnp
import numpy as np

N = 10000
E = 320000
D = 128
H = 128
O = 128


def setup_inputs(seed: int = 0) -> dict:
    key = jax.random.key(seed)
    ks = jax.random.split(key, 12)
    x = jax.random.normal(ks[0], (N, D), dtype=jnp.float32)
    edge_index = jax.random.randint(ks[1], (2, E), 0, N, dtype=jnp.int32)
    s1 = 1.0 / np.sqrt(D)
    s2 = 1.0 / np.sqrt(H)
    W1 = jax.random.normal(ks[2], (D, H), dtype=jnp.float32) * s1
    b1 = jnp.zeros((H,), dtype=jnp.float32)
    g1 = jnp.ones((H,), dtype=jnp.float32)
    bt1 = jnp.zeros((H,), dtype=jnp.float32)
    W2 = jax.random.normal(ks[3], (H, H), dtype=jnp.float32) * s2
    b2 = jnp.zeros((H,), dtype=jnp.float32)
    g2 = jnp.ones((H,), dtype=jnp.float32)
    bt2 = jnp.zeros((H,), dtype=jnp.float32)
    W3 = jax.random.normal(ks[4], (H, O), dtype=jnp.float32) * s2
    b3 = jnp.zeros((O,), dtype=jnp.float32)
    return {"x": x, "edge_index": edge_index, "W1": W1, "b1": b1, "g1": g1, "bt1": bt1, "W2": W2, "b2": b2, "g2": g2, "bt2": bt2, "W3": W3, "b3": b3}


def _norm_coefs(edge_index):
    src = edge_index[0]
    dst = edge_index[1]
    loop = jnp.arange(N, dtype=src.dtype)
    src = jnp.concatenate([src, loop])
    dst = jnp.concatenate([dst, loop])
    deg = jnp.zeros((N,), jnp.float32).at[dst].add(1.0)
    dinv = jax.lax.rsqrt(jnp.maximum(deg, 1.0))
    norm = dinv[src] * dinv[dst]
    return src, dst, norm


def _gcn_conv(x, W, b, src, dst, norm):
    h = x @ W
    msg = h[src] * norm[:, None]
    agg = jnp.zeros_like(h).at[dst].add(msg)
    return agg + b


def _batch_norm(x, gamma, beta):
    mu = jnp.mean(x, axis=0)
    var = jnp.var(x, axis=0)
    return gamma * (x - mu) * jax.lax.rsqrt(var + 1e-5) + beta


def reference(x, edge_index, W1, b1, g1, bt1, W2, b2, g2, bt2, W3, b3):
    src, dst, norm = _norm_coefs(edge_index)
    h = _gcn_conv(x, W1, b1, src, dst, norm)
    h = _batch_norm(h, g1, bt1)
    h = jax.nn.relu(h)
    h = _gcn_conv(h, W2, b2, src, dst, norm)
    h = _batch_norm(h, g2, bt2)
    h = jax.nn.relu(h)
    h = _gcn_conv(h, W3, b3, src, dst, norm)
    return h

if __name__ == "__main__":
    import jax
    _d = setup_inputs()
    print(jax.jit(kernel)(*tuple(_d.values())))

</pallas_src>

<mosaic_0001>
#map = affine_map<(d0, d1) -> (0, 0)>
#map1 = affine_map<(d0, d1) -> (0, 0, 0)>
module attributes {stable_mosaic.version = 14 : i64} {
  func.func @_sc_spmm(%arg0: i32, %arg1: i32, %arg2: memref<10000x128xf32, #tpu.memory_space<hbm>>, %arg3: memref<32x79x128xi32, #tpu.memory_space<hbm>>, %arg4: memref<32x79x128xi32, #tpu.memory_space<hbm>>, %arg5: memref<128x128xf32, #tpu.memory_space<hbm>>, %arg6: memref<2x10112x128xf32, #tpu.memory_space<hbm>>, %arg7: memref<79x128xi32, #tpu.memory_space<vmem>>, %arg8: memref<79x128xi32, #tpu.memory_space<vmem>>, %arg9: memref<128x128xf32, #tpu.memory_space<vmem>>, %arg10: memref<10112x128xf32, #tpu.memory_space<vmem_shared>>, %arg11: memref<!tpu.dma_semaphore, #tpu.memory_space<semaphore_mem>>) attributes {dimension_semantics = [#tpu.dimension_semantics<core_parallel>, #tpu.dimension_semantics<subcore_parallel>], iteration_bounds = array<i64: 2, 16>, scalar_prefetch = 0 : i64, scratch_operands = 5 : i64, tpu.core_type = #tpu.core_type<sc_vector_subcore>, window_params = [{transform_indices = #map}, {transform_indices = #map1}, {transform_indices = #map1}, {transform_indices = #map}, {transform_indices = #map1}]} {
    %mul3A = arith.constant 16 : i32
    %mul3A_0 = arith.muli %arg0, %mul3A : i32
    %add3A = arith.addi %mul3A_0, %arg1 : i32
    "tpu.region"() ({
      %run_scoped3A = tpu.sem_alloc : memref<!tpu.dma_semaphore, #tpu.memory_space<semaphore_mem>>
      %dma_start3A = arith.constant 0 : i32
      %dma_start3A_19 = arith.constant 0 : i32
      %dma_start3A_20 = tpu.memref_slice %arg3[%add3A, %dma_start3A, %dma_start3A_19] : memref<32x79x128xi32, #tpu.memory_space<hbm>> -> memref<1x79x128xi32, #tpu.memory_space<hbm>>
      %dma_start3A_21 = tpu.memref_squeeze %dma_start3A_20 : memref<1x79x128xi32, #tpu.memory_space<hbm>> -> memref<79x128xi32, #tpu.memory_space<hbm>>
      %dma_start3A_22 = arith.constant 0 : i32
      %dma_start3A_23 = arith.constant 0 : i32
      %dma_start3A_24 = tpu.memref_slice %arg3[%add3A, %dma_start3A_22, %dma_start3A_23] : memref<32x79x128xi32, #tpu.memory_space<hbm>> -> memref<1x79x128xi32, #tpu.memory_space<hbm>>
      %dma_start3A_25 = tpu.memref_squeeze %dma_start3A_24 : memref<1x79x128xi32, #tpu.memory_space<hbm>> -> memref<79x128xi32, #tpu.memory_space<hbm>>
      tpu.enqueue_dma source(%dma_start3A_25 : memref<79x128xi32, #tpu.memory_space<hbm>>) target(%arg7 : memref<79x128xi32, #tpu.memory_space<vmem>>) target_semaphore(%run_scoped3A : memref<!tpu.dma_semaphore, #tpu.memory_space<semaphore_mem>>)
      %dma_wait3A = arith.constant 0 : i32
      %dma_wait3A_26 = arith.constant 0 : i32
      %dma_wait3A_27 = tpu.memref_slice %arg3[%add3A, %dma_wait3A, %dma_wait3A_26] : memref<32x79x128xi32, #tpu.memory_space<hbm>> -> memref<1x79x128xi32, #tpu.memory_space<hbm>>
      %dma_wait3A_28 = tpu.memref_squeeze %dma_wait3A_27 : memref<1x79x128xi32, #tpu.memory_space<hbm>> -> memref<79x128xi32, #tpu.memory_space<hbm>>
      %dma_wait3A_29 = arith.constant 0 : i32
      %dma_wait3A_30 = arith.constant 0 : i32
      %dma_wait3A_31 = tpu.memref_slice %arg3[%add3A, %dma_wait3A_29, %dma_wait3A_30] : memref<32x79x128xi32, #tpu.memory_space<hbm>> -> memref<1x79x128xi32, #tpu.memory_space<hbm>>
      %dma_wait3A_32 = tpu.memref_squeeze %dma_wait3A_31 : memref<1x79x128xi32, #tpu.memory_space<hbm>> -> memref<79x128xi32, #tpu.memory_space<hbm>>
      tpu.wait_dma2 semaphore(%run_scoped3A : memref<!tpu.dma_semaphore, #tpu.memory_space<semaphore_mem>>) src(%dma_wait3A_32 : memref<79x128xi32, #tpu.memory_space<hbm>>) dst(%arg7 : memref<79x128xi32, #tpu.memory_space<vmem>>)
      tpu.yield
    }) : () -> ()
    "tpu.region"() ({
      %run_scoped3A = tpu.sem_alloc : memref<!tpu.dma_semaphore, #tpu.memory_space<semaphore_mem>>
      %dma_start3A = arith.constant 0 : i32
      %dma_start3A_19 = arith.constant 0 : i32
      %dma_start3A_20 = tpu.memref_slice %arg4[%add3A, %dma_start3A, %dma_start3A_19] : memref<32x79x128xi32, #tpu.memory_space<hbm>> -> memref<1x79x128xi32, #tpu.memory_space<hbm>>
      %dma_start3A_21 = tpu.memref_squeeze %dma_start3A_20 : memref<1x79x128xi32, #tpu.memory_space<hbm>> -> memref<79x128xi32, #tpu.memory_space<hbm>>
      %dma_start3A_22 = arith.constant 0 : i32
      %dma_start3A_23 = arith.constant 0 : i32
      %dma_start3A_24 = tpu.memref_slice %arg4[%add3A, %dma_start3A_22, %dma_start3A_23] : memref<32x79x128xi32, #tpu.memory_space<hbm>> -> memref<1x79x128xi32, #tpu.memory_space<hbm>>
      %dma_start3A_25 = tpu.memref_squeeze %dma_start3A_24 : memref<1x79x128xi32, #tpu.memory_space<hbm>> -> memref<79x128xi32, #tpu.memory_space<hbm>>
      tpu.enqueue_dma source(%dma_start3A_25 : memref<79x128xi32, #tpu.memory_space<hbm>>) target(%arg8 : memref<79x128xi32, #tpu.memory_space<vmem>>) target_semaphore(%run_scoped3A : memref<!tpu.dma_semaphore, #tpu.memory_space<semaphore_mem>>)
      %dma_wait3A = arith.constant 0 : i32
      %dma_wait3A_26 = arith.constant 0 : i32
      %dma_wait3A_27 = tpu.memref_slice %arg4[%add3A, %dma_wait3A, %dma_wait3A_26] : memref<32x79x128xi32, #tpu.memory_space<hbm>> -> memref<1x79x128xi32, #tpu.memory_space<hbm>>
      %dma_wait3A_28 = tpu.memref_squeeze %dma_wait3A_27 : memref<1x79x128xi32, #tpu.memory_space<hbm>> -> memref<79x128xi32, #tpu.memory_space<hbm>>
      %dma_wait3A_29 = arith.constant 0 : i32
      %dma_wait3A_30 = arith.constant 0 : i32
      %dma_wait3A_31 = tpu.memref_slice %arg4[%add3A, %dma_wait3A_29, %dma_wait3A_30] : memref<32x79x128xi32, #tpu.memory_space<hbm>> -> memref<1x79x128xi32, #tpu.memory_space<hbm>>
      %dma_wait3A_32 = tpu.memref_squeeze %dma_wait3A_31 : memref<1x79x128xi32, #tpu.memory_space<hbm>> -> memref<79x128xi32, #tpu.memory_space<hbm>>
      tpu.wait_dma2 semaphore(%run_scoped3A : memref<!tpu.dma_semaphore, #tpu.memory_space<semaphore_mem>>) src(%dma_wait3A_32 : memref<79x128xi32, #tpu.memory_space<hbm>>) dst(%arg8 : memref<79x128xi32, #tpu.memory_space<vmem>>)
      tpu.yield
    }) : () -> ()
    "tpu.region"() ({
      %run_scoped3A = tpu.sem_alloc : memref<!tpu.dma_semaphore, #tpu.memory_space<semaphore_mem>>
      tpu.enqueue_dma source(%arg5 : memref<128x128xf32, #tpu.memory_space<hbm>>) target(%arg9 : memref<128x128xf32, #tpu.memory_space<vmem>>) target_semaphore(%run_scoped3A : memref<!tpu.dma_semaphore, #tpu.memory_space<semaphore_mem>>)
      tpu.wait_dma2 semaphore(%run_scoped3A : memref<!tpu.dma_semaphore, #tpu.memory_space<semaphore_mem>>) src(%arg5 : memref<128x128xf32, #tpu.memory_space<hbm>>) dst(%arg9 : memref<128x128xf32, #tpu.memory_space<vmem>>)
      tpu.yield
    }) : () -> ()
    %mul3A_1 = arith.constant 632 : i32
    %mul3A_2 = arith.muli %arg1, %mul3A_1 : i32
    %add3A_3 = arith.constant 0 : i32
    %add3A_4 = arith.addi %mul3A_2, %add3A_3 : i32
    "tpu.region"() ({
      %run_scoped3A = tpu.sem_alloc : memref<!tpu.dma_semaphore, #tpu.memory_space<semaphore_mem>>
      %dma_start3A = arith.constant 0 : i32
      %dma_start3A_19 = arith.constant 0 : i32
      %dma_start3A_20 = tpu.memref_slice %arg9[%dma_start3A, %dma_start3A_19] : memref<128x128xf32, #tpu.memory_space<vmem>> -> memref<128x128xf32, #tpu.memory_space<vmem>>
      %dma_start3A_21 = arith.constant 0 : i32
      %dma_start3A_22 = tpu.memref_slice %arg10[%add3A_4, %dma_start3A_21] : memref<10112x128xf32, #tpu.memory_space<vmem_shared>> -> memref<128x128xf32, #tpu.memory_space<vmem_shared>>
      %dma_start3A_23 = arith.constant 0 : i32
      %dma_start3A_24 = tpu.memref_slice %arg10[%add3A_4, %dma_start3A_23] : memref<10112x128xf32, #tpu.memory_space<vmem_shared>> -> memref<128x128xf32, #tpu.memory_space<vmem_shared>>
      %dma_start3A_25 = arith.constant 0 : i32
      %dma_start3A_26 = arith.constant 0 : i32
      %dma_start3A_27 = tpu.memref_slice %arg9[%dma_start3A_25, %dma_start3A_26] : memref<128x128xf32, #tpu.memory_space<vmem>> -> memref<128x128xf32, #tpu.memory_space<vmem>>
      tpu.enqueue_dma source(%dma_start3A_27 : memref<128x128xf32, #tpu.memory_space<vmem>>) target(%dma_start3A_24 : memref<128x128xf32, #tpu.memory_space<vmem_shared>>) target_semaphore(%run_scoped3A : memref<!tpu.dma_semaphore, #tpu.memory_space<semaphore_mem>>)
      %dma_wait3A = arith.constant 0 : i32
      %dma_wait3A_28 = arith.constant 0 : i32
      %dma_wait3A_29 = tpu.memref_slice %arg9[%dma_wait3A, %dma_wait3A_28] : memref<128x128xf32, #tpu.memory_space<vmem>> -> memref<128x128xf32, #tpu.memory_space<vmem>>
      %dma_wait3A_30 = arith.constant 0 : i32
      %dma_wait3A_31 = tpu.memref_slice %arg10[%add3A_4, %dma_wait3A_30] : memref<10112x128xf32, #tpu.memory_space<vmem_shared>> -> memref<128x128xf32, #tpu.memory_space<vmem_shared>>
      %dma_wait3A_32 = arith.constant 0 : i32
      %dma_wait3A_33 = tpu.memref_slice %arg10[%add3A_4, %dma_wait3A_32] : memref<10112x128xf32, #tpu.memory_space<vmem_shared>> -> memref<128x128xf32, #tpu.memory_space<vmem_shared>>
      %dma_wait3A_34 = arith.constant 0 : i32
      %dma_wait3A_35 = arith.constant 0 : i32
      %dma_wait3A_36 = tpu.memref_slice %arg9[%dma_wait3A_34, %dma_wait3A_35] : memref<128x128xf32, #tpu.memory_space<vmem>> -> memref<128x128xf32, #tpu.memory_space<vmem>>
      tpu.wait_dma2 semaphore(%run_scoped3A : memref<!tpu.dma_semaphore, #tpu.memory_space<semaphore_mem>>) src(%dma_wait3A_36 : memref<128x128xf32, #tpu.memory_space<vmem>>) dst(%dma_wait3A_33 : memref<128x128xf32, #tpu.memory_space<vmem_shared>>)
      tpu.yield
    }) : () -> ()
    %add3A_5 = arith.constant 128 : i32
    %add3A_6 = arith.addi %mul3A_2, %add3A_5 : i32
    "tpu.region"() ({
      %run_scoped3A = tpu.sem_alloc : memref<!tpu.dma_semaphore, #tpu.memory_space<semaphore_mem>>
      %dma_start3A = arith.constant 0 : i32
      %dma_start3A_19 = arith.constant 0 : i32
      %dma_start3A_20 = tpu.memref_slice %arg9[%dma_start3A, %dma_start3A_19] : memref<128x128xf32, #tpu.memory_space<vmem>> -> memref<128x128xf32, #tpu.memory_space<vmem>>
      %dma_start3A_21 = arith.constant 0 : i32
      %dma_start3A_22 = tpu.memref_slice %arg10[%add3A_6, %dma_start3A_21] : memref<10112x128xf32, #tpu.memory_space<vmem_shared>> -> memref<128x128xf32, #tpu.memory_space<vmem_shared>>
      %dma_start3A_23 = arith.constant 0 : i32
      %dma_start3A_24 = tpu.memref_slice %arg10[%add3A_6, %dma_start3A_23] : memref<10112x128xf32, #tpu.memory_space<vmem_shared>> -> memref<128x128xf32, #tpu.memory_space<vmem_shared>>
      %dma_start3A_25 = arith.constant 0 : i32
      %dma_start3A_26 = arith.constant 0 : i32
      %dma_start3A_27 = tpu.memref_slice %arg9[%dma_start3A_25, %dma_start3A_26] : memref<128x128xf32, #tpu.memory_space<vmem>> -> memref<128x128xf32, #tpu.memory_space<vmem>>
      tpu.enqueue_dma source(%dma_start3A_27 : memref<128x128xf32, #tpu.memory_space<vmem>>) target(%dma_start3A_24 : memref<128x128xf32, #tpu.memory_space<vmem_shared>>) target_semaphore(%run_scoped3A : memref<!tpu.dma_semaphore, #tpu.memory_space<semaphore_mem>>)
      %dma_wait3A = arith.constant 0 : i32
      %dma_wait3A_28 = arith.constant 0 : i32
      %dma_wait3A_29 = tpu.memref_slice %arg9[%dma_wait3A, %dma_wait3A_28] : memref<128x128xf32, #tpu.memory_space<vmem>> -> memref<128x128xf32, #tpu.memory_space<vmem>>
      %dma_wait3A_30 = arith.constant 0 : i32
      %dma_wait3A_31 = tpu.memref_slice %arg10[%add3A_6, %dma_wait3A_30] : memref<10112x128xf32, #tpu.memory_space<vmem_shared>> -> memref<128x128xf32, #tpu.memory_space<vmem_shared>>
      %dma_wait3A_32 = arith.constant 0 : i32
      %dma_wait3A_33 = tpu.memref_slice %arg10[%add3A_6, %dma_wait3A_32] : memref<10112x128xf32, #tpu.memory_space<vmem_shared>> -> memref<128x128xf32, #tpu.memory_space<vmem_shared>>
      %dma_wait3A_34 = arith.constant 0 : i32
      %dma_wait3A_35 = arith.constant 0 : i32
      %dma_wait3A_36 = tpu.memref_slice %arg9[%dma_wait3A_34, %dma_wait3A_35] : memref<128x128xf32, #tpu.memory_space<vmem>> -> memref<128x128xf32, #tpu.memory_space<vmem>>
      tpu.wait_dma2 semaphore(%run_scoped3A : memref<!tpu.dma_semaphore, #tpu.memory_space<semaphore_mem>>) src(%dma_wait3A_36 : memref<128x128xf32, #tpu.memory_space<vmem>>) dst(%dma_wait3A_33 : memref<128x128xf32, #tpu.memory_space<vmem_shared>>)
      tpu.yield
    }) : () -> ()
    %add3A_7 = arith.constant 256 : i32
    %add3A_8 = arith.addi %mul3A_2, %add3A_7 : i32
    "tpu.region"() ({
      %run_scoped3A = tpu.sem_alloc : memref<!tpu.dma_semaphore, #tpu.memory_space<semaphore_mem>>
      %dma_start3A = arith.constant 0 : i32
      %dma_start3A_19 = arith.constant 0 : i32
      %dma_start3A_20 = tpu.memref_slice %arg9[%dma_start3A, %dma_start3A_19] : memref<128x128xf32, #tpu.memory_space<vmem>> -> memref<128x128xf32, #tpu.memory_space<vmem>>
      %dma_start3A_21 = arith.constant 0 : i32
      %dma_start3A_22 = tpu.memref_slice %arg10[%add3A_8, %dma_start3A_21] : memref<10112x128xf32, #tpu.memory_space<vmem_shared>> -> memref<128x128xf32, #tpu.memory_space<vmem_shared>>
      %dma_start3A_23 = arith.constant 0 : i32
      %dma_start3A_24 = tpu.memref_slice %arg10[%add3A_8, %dma_start3A_23] : memref<10112x128xf32, #tpu.memory_space<vmem_shared>> -> memref<128x128xf32, #tpu.memory_space<vmem_shared>>
      %dma_start3A_25 = arith.constant 0 : i32
      %dma_start3A_26 = arith.constant 0 : i32
      %dma_start3A_27 = tpu.memref_slice %arg9[%dma_start3A_25, %dma_start3A_26] : memref<128x128xf32, #tpu.memory_space<vmem>> -> memref<128x128xf32, #tpu.memory_space<vmem>>
      tpu.enqueue_dma source(%dma_start3A_27 : memref<128x128xf32, #tpu.memory_space<vmem>>) target(%dma_start3A_24 : memref<128x128xf32, #tpu.memory_space<vmem_shared>>) target_semaphore(%run_scoped3A : memref<!tpu.dma_semaphore, #tpu.memory_space<semaphore_mem>>)
      %dma_wait3A = arith.constant 0 : i32
      %dma_wait3A_28 = arith.constant 0 : i32
      %dma_wait3A_29 = tpu.memref_slice %arg9[%dma_wait3A, %dma_wait3A_28] : memref<128x128xf32, #tpu.memory_space<vmem>> -> memref<128x128xf32, #tpu.memory_space<vmem>>
      %dma_wait3A_30 = arith.constant 0 : i32
      %dma_wait3A_31 = tpu.memref_slice %arg10[%add3A_8, %dma_wait3A_30] : memref<10112x128xf32, #tpu.memory_space<vmem_shared>> -> memref<128x128xf32, #tpu.memory_space<vmem_shared>>
      %dma_wait3A_32 = arith.constant 0 : i32
      %dma_wait3A_33 = tpu.memref_slice %arg10[%add3A_8, %dma_wait3A_32] : memref<10112x128xf32, #tpu.memory_space<vmem_shared>> -> memref<128x128xf32, #tpu.memory_space<vmem_shared>>
      %dma_wait3A_34 = arith.constant 0 : i32
      %dma_wait3A_35 = arith.constant 0 : i32
      %dma_wait3A_36 = tpu.memref_slice %arg9[%dma_wait3A_34, %dma_wait3A_35] : memref<128x128xf32, #tpu.memory_space<vmem>> -> memref<128x128xf32, #tpu.memory_space<vmem>>
      tpu.wait_dma2 semaphore(%run_scoped3A : memref<!tpu.dma_semaphore, #tpu.memory_space<semaphore_mem>>) src(%dma_wait3A_36 : memref<128x128xf32, #tpu.memory_space<vmem>>) dst(%dma_wait3A_33 : memref<128x128xf32, #tpu.memory_space<vmem_shared>>)
      tpu.yield
    }) : () -> ()
    %add3A_9 = arith.constant 384 : i32
    %add3A_10 = arith.addi %mul3A_2, %add3A_9 : i32
    "tpu.region"() ({
      %run_scoped3A = tpu.sem_alloc : memref<!tpu.dma_semaphore, #tpu.memory_space<semaphore_mem>>
      %dma_start3A = arith.constant 0 : i32
      %dma_start3A_19 = arith.constant 0 : i32
      %dma_start3A_20 = tpu.memref_slice %arg9[%dma_start3A, %dma_start3A_19] : memref<128x128xf32, #tpu.memory_space<vmem>> -> memref<128x128xf32, #tpu.memory_space<vmem>>
      %dma_start3A_21 = arith.constant 0 : i32
      %dma_start3A_22 = tpu.memref_slice %arg10[%add3A_10, %dma_start3A_21] : memref<10112x128xf32, #tpu.memory_space<vmem_shared>> -> memref<128x128xf32, #tpu.memory_space<vmem_shared>>
      %dma_start3A_23 = arith.constant 0 : i32
      %dma_start3A_24 = tpu.memref_slice %arg10[%add3A_10, %dma_start3A_23] : memref<10112x128xf32, #tpu.memory_space<vmem_shared>> -> memref<128x128xf32, #tpu.memory_space<vmem_shared>>
      %dma_start3A_25 = arith.constant 0 : i32
      %dma_start3A_26 = arith.constant 0 : i32
      %dma_start3A_27 = tpu.memref_slice %arg9[%dma_start3A_25, %dma_start3A_26] : memref<128x128xf32, #tpu.memory_space<vmem>> -> memref<128x128xf32, #tpu.memory_space<vmem>>
      tpu.enqueue_dma source(%dma_start3A_27 : memref<128x128xf32, #tpu.memory_space<vmem>>) target(%dma_start3A_24 : memref<128x128xf32, #tpu.memory_space<vmem_shared>>) target_semaphore(%run_scoped3A : memref<!tpu.dma_semaphore, #tpu.memory_space<semaphore_mem>>)
      %dma_wait3A = arith.constant 0 : i32
      %dma_wait3A_28 = arith.constant 0 : i32
      %dma_wait3A_29 = tpu.memref_slice %arg9[%dma_wait3A, %dma_wait3A_28] : memref<128x128xf32, #tpu.memory_space<vmem>> -> memref<128x128xf32, #tpu.memory_space<vmem>>
      %dma_wait3A_30 = arith.constant 0 : i32
      %dma_wait3A_31 = tpu.memref_slice %arg10[%add3A_10, %dma_wait3A_30] : memref<10112x128xf32, #tpu.memory_space<vmem_shared>> -> memref<128x128xf32, #tpu.memory_space<vmem_shared>>
      %dma_wait3A_32 = arith.constant 0 : i32
      %dma_wait3A_33 = tpu.memref_slice %arg10[%add3A_10, %dma_wait3A_32] : memref<10112x128xf32, #tpu.memory_space<vmem_shared>> -> memref<128x128xf32, #tpu.memory_space<vmem_shared>>
      %dma_wait3A_34 = arith.constant 0 : i32
      %dma_wait3A_35 = arith.constant 0 : i32
      %dma_wait3A_36 = tpu.memref_slice %arg9[%dma_wait3A_34, %dma_wait3A_35] : memref<128x128xf32, #tpu.memory_space<vmem>> -> memref<128x128xf32, #tpu.memory_space<vmem>>
      tpu.wait_dma2 semaphore(%run_scoped3A : memref<!tpu.dma_semaphore, #tpu.memory_space<semaphore_mem>>) src(%dma_wait3A_36 : memref<128x128xf32, #tpu.memory_space<vmem>>) dst(%dma_wait3A_33 : memref<128x128xf32, #tpu.memory_space<vmem_shared>>)
      tpu.yield
    }) : () -> ()
    %add3A_11 = arith.constant 512 : i32
    %add3A_12 = arith.addi %mul3A_2, %add3A_11 : i32
    "tpu.region"() ({
      %run_scoped3A = tpu.sem_alloc : memref<!tpu.dma_semaphore, #tpu.memory_space<semaphore_mem>>
      %dma_start3A = arith.constant 0 : i32
      %dma_start3A_19 = arith.constant 0 : i32
      %dma_start3A_20 = tpu.memref_slice %arg9[%dma_start3A, %dma_start3A_19] : memref<128x128xf32, #tpu.memory_space<vmem>> -> memref<120x128xf32, #tpu.memory_space<vmem>>
      %dma_start3A_21 = arith.constant 0 : i32
      %dma_start3A_22 = tpu.memref_slice %arg10[%add3A_12, %dma_start3A_21] : memref<10112x128xf32, #tpu.memory_space<vmem_shared>> -> memref<120x128xf32, #tpu.memory_space<vmem_shared>>
      %dma_start3A_23 = arith.constant 0 : i32
      %dma_start3A_24 = tpu.memref_slice %arg10[%add3A_12, %dma_start3A_23] : memref<10112x128xf32, #tpu.memory_space<vmem_shared>> -> memref<120x128xf32, #tpu.memory_space<vmem_shared>>
      %dma_start3A_25 = arith.constant 0 : i32
      %dma_start3A_26 = arith.constant 0 : i32
      %dma_start3A_27 = tpu.memref_slice %arg9[%dma_start3A_25, %dma_start3A_26] : memref<128x128xf32, #tpu.memory_space<vmem>> -> memref<120x128xf32, #tpu.memory_space<vmem>>
      tpu.enqueue_dma source(%dma_start3A_27 : memref<120x128xf32, #tpu.memory_space<vmem>>) target(%dma_start3A_24 : memref<120x128xf32, #tpu.memory_space<vmem_shared>>) target_semaphore(%run_scoped3A : memref<!tpu.dma_semaphore, #tpu.memory_space<semaphore_mem>>)
      %dma_wait3A = arith.constant 0 : i32
      %dma_wait3A_28 = arith.constant 0 : i32
      %dma_wait3A_29 = tpu.memref_slice %arg9[%dma_wait3A, %dma_wait3A_28] : memref<128x128xf32, #tpu.memory_space<vmem>> -> memref<120x128xf32, #tpu.memory_space<vmem>>
      %dma_wait3A_30 = arith.constant 0 : i32
      %dma_wait3A_31 = tpu.memref_slice %arg10[%add3A_12, %dma_wait3A_30] : memref<10112x128xf32, #tpu.memory_space<vmem_shared>> -> memref<120x128xf32, #tpu.memory_space<vmem_shared>>
      %dma_wait3A_32 = arith.constant 0 : i32
      %dma_wait3A_33 = tpu.memref_slice %arg10[%add3A_12, %dma_wait3A_32] : memref<10112x128xf32, #tpu.memory_space<vmem_shared>> -> memref<120x128xf32, #tpu.memory_space<vmem_shared>>
      %dma_wait3A_34 = arith.constant 0 : i32
      %dma_wait3A_35 = arith.constant 0 : i32
      %dma_wait3A_36 = tpu.memref_slice %arg9[%dma_wait3A_34, %dma_wait3A_35] : memref<128x128xf32, #tpu.memory_space<vmem>> -> memref<120x128xf32, #tpu.memory_space<vmem>>
      tpu.wait_dma2 semaphore(%run_scoped3A : memref<!tpu.dma_semaphore, #tpu.memory_space<semaphore_mem>>) src(%dma_wait3A_36 : memref<120x128xf32, #tpu.memory_space<vmem>>) dst(%dma_wait3A_33 : memref<120x128xf32, #tpu.memory_space<vmem_shared>>)
      tpu.yield
    }) : () -> ()
    %barrier3A = arith.constant 0 : index
    tpu.barrier barrier_id(%barrier3A)
    %scan3A = arith.constant 0 : i32
    %scan3A_13 = arith.constant 0 : i32
    %scan3A_14 = arith.constant 79 : i32
    %scan3A_15 = arith.addi %scan3A_13, %scan3A_14 : i32
    %scan3A_16 = arith.constant 1 : i32
    scf.for %scan3A_19 = %scan3A_13 to %scan3A_15 step %scan3A_16  : i32 {
      %dma_start3A = arith.constant 0 : i32
      %dma_start3A_20 = tpu.memref_slice %arg7[%scan3A_19, %dma_start3A] : memref<79x128xi32, #tpu.memory_space<vmem>> -> memref<1x128xi32, #tpu.memory_space<vmem>>
      %dma_start3A_21 = tpu.memref_squeeze %dma_start3A_20 : memref<1x128xi32, #tpu.memory_space<vmem>> -> memref<128xi32, #tpu.memory_space<vmem>>
      %dma_start3A_22 = arith.constant 0 : i32
      %dma_start3A_23 = arith.constant 0 : i32
      %dma_start3A_24 = tpu.memref_slice %arg2[%dma_start3A_22, %dma_start3A_23] : memref<10000x128xf32, #tpu.memory_space<hbm>> -> memref<10000x128xf32, #tpu.memory_space<hbm>>
      tpu.enqueue_indirect_dma source(%dma_start3A_24 : memref<10000x128xf32, #tpu.memory_space<hbm>>) target(%arg9 : memref<128x128xf32, #tpu.memory_space<vmem>>) offsets(%dma_start3A_21 : memref<128xi32, #tpu.memory_space<vmem>>) semaphore(%arg11 : memref<!tpu.dma_semaphore, #tpu.memory_space<semaphore_mem>>)
      %dma_wait3A = arith.constant 0 : i32
      %dma_wait3A_25 = tpu.memref_slice %arg7[%scan3A_19, %dma_wait3A] : memref<79x128xi32, #tpu.memory_space<vmem>> -> memref<1x128xi32, #tpu.memory_space<vmem>>
      %dma_wait3A_26 = tpu.memref_squeeze %dma_wait3A_25 : memref<1x128xi32, #tpu.memory_space<vmem>> -> memref<128xi32, #tpu.memory_space<vmem>>
      %dma_wait3A_27 = arith.constant 0 : i32
      %dma_wait3A_28 = arith.constant 0 : i32
      %dma_wait3A_29 = tpu.memref_slice %arg2[%dma_wait3A_27, %dma_wait3A_28] : memref<10000x128xf32, #tpu.memory_space<hbm>> -> memref<10000x128xf32, #tpu.memory_space<hbm>>
      tpu.wait_indirect_dma semaphore(%arg11 : memref<!tpu.dma_semaphore, #tpu.memory_space<semaphore_mem>>) src(%dma_wait3A_29 : memref<10000x128xf32, #tpu.memory_space<hbm>>) dst(%arg9 : memref<128x128xf32, #tpu.memory_space<vmem>>)
      "tpu.region"() ({
        %run_scoped3A = tpu.sem_alloc : memref<!tpu.dma_semaphore, #tpu.memory_space<semaphore_mem>>
        %dma_start3A_30 = arith.constant 0 : i32
        %dma_start3A_31 = tpu.memref_slice %arg8[%scan3A_19, %dma_start3A_30] : memref<79x128xi32, #tpu.memory_space<vmem>> -> memref<1x128xi32, #tpu.memory_space<vmem>>
        %dma_start3A_32 = tpu.memref_squeeze %dma_start3A_31 : memref<1x128xi32, #tpu.memory_space<vmem>> -> memref<128xi32, #tpu.memory_space<vmem>>
        %dma_start3A_33 = arith.constant 0 : i32
        %dma_start3A_34 = arith.constant 0 : i32
        %dma_start3A_35 = tpu.memref_slice %arg10[%dma_start3A_33, %dma_start3A_34] : memref<10112x128xf32, #tpu.memory_space<vmem_shared>> -> memref<10112x128xf32, #tpu.memory_space<vmem_shared>>
        tpu.enqueue_indirect_dma source(%arg9 : memref<128x128xf32, #tpu.memory_space<vmem>>) target(%dma_start3A_35 : memref<10112x128xf32, #tpu.memory_space<vmem_shared>>) offsets(%dma_start3A_32 : memref<128xi32, #tpu.memory_space<vmem>>) semaphore(%run_scoped3A : memref<!tpu.dma_semaphore, #tpu.memory_space<semaphore_mem>>) {add = true}
        %dma_wait3A_36 = arith.constant 0 : i32
        %dma_wait3A_37 = tpu.memref_slice %arg8[%scan3A_19, %dma_wait3A_36] : memref<79x128xi32, #tpu.memory_space<vmem>> -> memref<1x128xi32, #tpu.memory_space<vmem>>
        %dma_wait3A_38 = tpu.memref_squeeze %dma_wait3A_37 : memref<1x128xi32, #tpu.memory_space<vmem>> -> memref<128xi32, #tpu.memory_space<vmem>>
        %dma_wait3A_39 = arith.constant 0 : i32
        %dma_wait3A_40 = arith.constant 0 : i32
        %dma_wait3A_41 = tpu.memref_slice %arg10[%dma_wait3A_39, %dma_wait3A_40] : memref<10112x128xf32, #tpu.memory_space<vmem_shared>> -> memref<10112x128xf32, #tpu.memory_space<vmem_shared>>
        tpu.wait_indirect_dma semaphore(%run_scoped3A : memref<!tpu.dma_semaphore, #tpu.memory_space<semaphore_mem>>) src(%arg9 : memref<128x128xf32, #tpu.memory_space<vmem>>) dst(%dma_wait3A_41 : memref<10112x128xf32, #tpu.memory_space<vmem_shared>>)
        tpu.yield
      }) : () -> ()
    }
    %scan3A_17 = arith.constant 79 : i32
    %barrier3A_18 = arith.constant 0 : index
    tpu.barrier barrier_id(%barrier3A_18)
    "tpu.region"() ({
      %run_scoped3A = tpu.sem_alloc : memref<!tpu.dma_semaphore, #tpu.memory_space<semaphore_mem>>
      %dma_start3A = arith.constant 0 : i32
      %dma_start3A_19 = tpu.memref_slice %arg6[%arg0, %mul3A_2, %dma_start3A] : memref<2x10112x128xf32, #tpu.memory_space<hbm>> -> memref<1x632x128xf32, #tpu.memory_space<hbm>>
      %dma_start3A_20 = tpu.memref_squeeze %dma_start3A_19 : memref<1x632x128xf32, #tpu.memory_space<hbm>> -> memref<632x128xf32, #tpu.memory_space<hbm>>
      %dma_start3A_21 = arith.constant 0 : i32
      %dma_start3A_22 = tpu.memref_slice %arg10[%mul3A_2, %dma_start3A_21] : memref<10112x128xf32, #tpu.memory_space<vmem_shared>> -> memref<632x128xf32, #tpu.memory_space<vmem_shared>>
      tpu.enqueue_dma source(%dma_start3A_22 : memref<632x128xf32, #tpu.memory_space<vmem_shared>>) target(%dma_start3A_20 : memref<632x128xf32, #tpu.memory_space<hbm>>) target_semaphore(%run_scoped3A : memref<!tpu.dma_semaphore, #tpu.memory_space<semaphore_mem>>)
      %dma_wait3A = arith.constant 0 : i32
      %dma_wait3A_23 = tpu.memref_slice %arg6[%arg0, %mul3A_2, %dma_wait3A] : memref<2x10112x128xf32, #tpu.memory_space<hbm>> -> memref<1x632x128xf32, #tpu.memory_space<hbm>>
      %dma_wait3A_24 = tpu.memref_squeeze %dma_wait3A_23 : memref<1x632x128xf32, #tpu.memory_space<hbm>> -> memref<632x128xf32, #tpu.memory_space<hbm>>
      %dma_wait3A_25 = arith.constant 0 : i32
      %dma_wait3A_26 = tpu.memref_slice %arg10[%mul3A_2, %dma_wait3A_25] : memref<10112x128xf32, #tpu.memory_space<vmem_shared>> -> memref<632x128xf32, #tpu.memory_space<vmem_shared>>
      tpu.wait_dma2 semaphore(%run_scoped3A : memref<!tpu.dma_semaphore, #tpu.memory_space<semaphore_mem>>) src(%dma_wait3A_26 : memref<632x128xf32, #tpu.memory_space<vmem_shared>>) dst(%dma_wait3A_24 : memref<632x128xf32, #tpu.memory_space<hbm>>)
      tpu.yield
    }) : () -> ()
    return
  }
}

#map = affine_map<(d0, d1) -> (0, 0, 0)>
#map1 = affine_map<(d0, d1) -> (0, 0)>
module attributes {stable_mosaic.version = 14 : i64} {
  func.func @_sc_degree(%arg0: i32, %arg1: i32, %arg2: memref<32x79x128xi32, #tpu.memory_space<hbm>>, %arg3: memref<128x16xf32, #tpu.memory_space<hbm>>, %arg4: memref<128x16xf32, #tpu.memory_space<hbm>>, %arg5: memref<2x10112x16xf32, #tpu.memory_space<hbm>>, %arg6: memref<79x128xi32, #tpu.memory_space<vmem>>, %arg7: memref<128x16xf32, #tpu.memory_space<vmem>>, %arg8: memref<10112x16xf32, #tpu.memory_space<vmem_shared>>) attributes {dimension_semantics = [#tpu.dimension_semantics<core_parallel>, #tpu.dimension_semantics<subcore_parallel>], iteration_bounds = array<i64: 2, 16>, scalar_prefetch = 0 : i64, scratch_operands = 3 : i64, tpu.core_type = #tpu.core_type<sc_vector_subcore>, window_params = [{transform_indices = #map}, {transform_indices = #map1}, {transform_indices = #map1}, {transform_indices = #map}]} {
    %mul3A = arith.constant 16 : i32
    %mul3A_0 = arith.muli %arg0, %mul3A : i32
    %add3A = arith.addi %mul3A_0, %arg1 : i32
    "tpu.region"() ({
      %run_scoped3A = tpu.sem_alloc : memref<!tpu.dma_semaphore, #tpu.memory_space<semaphore_mem>>
      %dma_start3A = arith.constant 0 : i32
      %dma_start3A_19 = arith.constant 0 : i32
      %dma_start3A_20 = tpu.memref_slice %arg2[%add3A, %dma_start3A, %dma_start3A_19] : memref<32x79x128xi32, #tpu.memory_space<hbm>> -> memref<1x79x128xi32, #tpu.memory_space<hbm>>
      %dma_start3A_21 = tpu.memref_squeeze %dma_start3A_20 : memref<1x79x128xi32, #tpu.memory_space<hbm>> -> memref<79x128xi32, #tpu.memory_space<hbm>>
      %dma_start3A_22 = arith.constant 0 : i32
      %dma_start3A_23 = arith.constant 0 : i32
      %dma_start3A_24 = tpu.memref_slice %arg2[%add3A, %dma_start3A_22, %dma_start3A_23] : memref<32x79x128xi32, #tpu.memory_space<hbm>> -> memref<1x79x128xi32, #tpu.memory_space<hbm>>
      %dma_start3A_25 = tpu.memref_squeeze %dma_start3A_24 : memref<1x79x128xi32, #tpu.memory_space<hbm>> -> memref<79x128xi32, #tpu.memory_space<hbm>>
      tpu.enqueue_dma source(%dma_start3A_25 : memref<79x128xi32, #tpu.memory_space<hbm>>) target(%arg6 : memref<79x128xi32, #tpu.memory_space<vmem>>) target_semaphore(%run_scoped3A : memref<!tpu.dma_semaphore, #tpu.memory_space<semaphore_mem>>)
      %dma_wait3A = arith.constant 0 : i32
      %dma_wait3A_26 = arith.constant 0 : i32
      %dma_wait3A_27 = tpu.memref_slice %arg2[%add3A, %dma_wait3A, %dma_wait3A_26] : memref<32x79x128xi32, #tpu.memory_space<hbm>> -> memref<1x79x128xi32, #tpu.memory_space<hbm>>
      %dma_wait3A_28 = tpu.memref_squeeze %dma_wait3A_27 : memref<1x79x128xi32, #tpu.memory_space<hbm>> -> memref<79x128xi32, #tpu.memory_space<hbm>>
      %dma_wait3A_29 = arith.constant 0 : i32
      %dma_wait3A_30 = arith.constant 0 : i32
      %dma_wait3A_31 = tpu.memref_slice %arg2[%add3A, %dma_wait3A_29, %dma_wait3A_30] : memref<32x79x128xi32, #tpu.memory_space<hbm>> -> memref<1x79x128xi32, #tpu.memory_space<hbm>>
      %dma_wait3A_32 = tpu.memref_squeeze %dma_wait3A_31 : memref<1x79x128xi32, #tpu.memory_space<hbm>> -> memref<79x128xi32, #tpu.memory_space<hbm>>
      tpu.wait_dma2 semaphore(%run_scoped3A : memref<!tpu.dma_semaphore, #tpu.memory_space<semaphore_mem>>) src(%dma_wait3A_32 : memref<79x128xi32, #tpu.memory_space<hbm>>) dst(%arg6 : memref<79x128xi32, #tpu.memory_space<vmem>>)
      tpu.yield
    }) : () -> ()
    "tpu.region"() ({
      %run_scoped3A = tpu.sem_alloc : memref<!tpu.dma_semaphore, #tpu.memory_space<semaphore_mem>>
      tpu.enqueue_dma source(%arg4 : memref<128x16xf32, #tpu.memory_space<hbm>>) target(%arg7 : memref<128x16xf32, #tpu.memory_space<vmem>>) target_semaphore(%run_scoped3A : memref<!tpu.dma_semaphore, #tpu.memory_space<semaphore_mem>>)
      tpu.wait_dma2 semaphore(%run_scoped3A : memref<!tpu.dma_semaphore, #tpu.memory_space<semaphore_mem>>) src(%arg4 : memref<128x16xf32, #tpu.memory_space<hbm>>) dst(%arg7 : memref<128x16xf32, #tpu.memory_space<vmem>>)
      tpu.yield
    }) : () -> ()
    %mul3A_1 = arith.constant 632 : i32
    %mul3A_2 = arith.muli %arg1, %mul3A_1 : i32
    %add3A_3 = arith.constant 0 : i32
    %add3A_4 = arith.addi %mul3A_2, %add3A_3 : i32
    "tpu.region"() ({
      %run_scoped3A = tpu.sem_alloc : memref<!tpu.dma_semaphore, #tpu.memory_space<semaphore_mem>>
      %dma_start3A = arith.constant 0 : i32
      %dma_start3A_19 = arith.constant 0 : i32
      %dma_start3A_20 = tpu.memref_slice %arg7[%dma_start3A, %dma_start3A_19] : memref<128x16xf32, #tpu.memory_space<vmem>> -> memref<128x16xf32, #tpu.memory_space<vmem>>
      %dma_start3A_21 = arith.constant 0 : i32
      %dma_start3A_22 = tpu.memref_slice %arg8[%add3A_4, %dma_start3A_21] : memref<10112x16xf32, #tpu.memory_space<vmem_shared>> -> memref<128x16xf32, #tpu.memory_space<vmem_shared>>
      %dma_start3A_23 = arith.constant 0 : i32
      %dma_start3A_24 = tpu.memref_slice %arg8[%add3A_4, %dma_start3A_23] : memref<10112x16xf32, #tpu.memory_space<vmem_shared>> -> memref<128x16xf32, #tpu.memory_space<vmem_shared>>
      %dma_start3A_25 = arith.constant 0 : i32
      %dma_start3A_26 = arith.constant 0 : i32
      %dma_start3A_27 = tpu.memref_slice %arg7[%dma_start3A_25, %dma_start3A_26] : memref<128x16xf32, #tpu.memory_space<vmem>> -> memref<128x16xf32, #tpu.memory_space<vmem>>
      tpu.enqueue_dma source(%dma_start3A_27 : memref<128x16xf32, #tpu.memory_space<vmem>>) target(%dma_start3A_24 : memref<128x16xf32, #tpu.memory_space<vmem_shared>>) target_semaphore(%run_scoped3A : memref<!tpu.dma_semaphore, #tpu.memory_space<semaphore_mem>>)
      %dma_wait3A = arith.constant 0 : i32
      %dma_wait3A_28 = arith.constant 0 : i32
      %dma_wait3A_29 = tpu.memref_slice %arg7[%dma_wait3A, %dma_wait3A_28] : memref<128x16xf32, #tpu.memory_space<vmem>> -> memref<128x16xf32, #tpu.memory_space<vmem>>
      %dma_wait3A_30 = arith.constant 0 : i32
      %dma_wait3A_31 = tpu.memref_slice %arg8[%add3A_4, %dma_wait3A_30] : memref<10112x16xf32, #tpu.memory_space<vmem_shared>> -> memref<128x16xf32, #tpu.memory_space<vmem_shared>>
      %dma_wait3A_32 = arith.constant 0 : i32
      %dma_wait3A_33 = tpu.memref_slice %arg8[%add3A_4, %dma_wait3A_32] : memref<10112x16xf32, #tpu.memory_space<vmem_shared>> -> memref<128x16xf32, #tpu.memory_space<vmem_shared>>
      %dma_wait3A_34 = arith.constant 0 : i32
      %dma_wait3A_35 = arith.constant 0 : i32
      %dma_wait3A_36 = tpu.memref_slice %arg7[%dma_wait3A_34, %dma_wait3A_35] : memref<128x16xf32, #tpu.memory_space<vmem>> -> memref<128x16xf32, #tpu.memory_space<vmem>>
      tpu.wait_dma2 semaphore(%run_scoped3A : memref<!tpu.dma_semaphore, #tpu.memory_space<semaphore_mem>>) src(%dma_wait3A_36 : memref<128x16xf32, #tpu.memory_space<vmem>>) dst(%dma_wait3A_33 : memref<128x16xf32, #tpu.memory_space<vmem_shared>>)
      tpu.yield
    }) : () -> ()
    %add3A_5 = arith.constant 128 : i32
    %add3A_6 = arith.addi %mul3A_2, %add3A_5 : i32
    "tpu.region"() ({
      %run_scoped3A = tpu.sem_alloc : memref<!tpu.dma_semaphore, #tpu.memory_space<semaphore_mem>>
      %dma_start3A = arith.constant 0 : i32
      %dma_start3A_19 = arith.constant 0 : i32
      %dma_start3A_20 = tpu.memref_slice %arg7[%dma_start3A, %dma_start3A_19] : memref<128x16xf32, #tpu.memory_space<vmem>> -> memref<128x16xf32, #tpu.memory_space<vmem>>
      %dma_start3A_21 = arith.constant 0 : i32
      %dma_start3A_22 = tpu.memref_slice %arg8[%add3A_6, %dma_start3A_21] : memref<10112x16xf32, #tpu.memory_space<vmem_shared>> -> memref<128x16xf32, #tpu.memory_space<vmem_shared>>
      %dma_start3A_23 = arith.constant 0 : i32
      %dma_start3A_24 = tpu.memref_slice %arg8[%add3A_6, %dma_start3A_23] : memref<10112x16xf32, #tpu.memory_space<vmem_shared>> -> memref<128x16xf32, #tpu.memory_space<vmem_shared>>
      %dma_start3A_25 = arith.constant 0 : i32
      %dma_start3A_26 = arith.constant 0 : i32
      %dma_start3A_27 = tpu.memref_slice %arg7[%dma_start3A_25, %dma_start3A_26] : memref<128x16xf32, #tpu.memory_space<vmem>> -> memref<128x16xf32, #tpu.memory_space<vmem>>
      tpu.enqueue_dma source(%dma_start3A_27 : memref<128x16xf32, #tpu.memory_space<vmem>>) target(%dma_start3A_24 : memref<128x16xf32, #tpu.memory_space<vmem_shared>>) target_semaphore(%run_scoped3A : memref<!tpu.dma_semaphore, #tpu.memory_space<semaphore_mem>>)
      %dma_wait3A = arith.constant 0 : i32
      %dma_wait3A_28 = arith.constant 0 : i32
      %dma_wait3A_29 = tpu.memref_slice %arg7[%dma_wait3A, %dma_wait3A_28] : memref<128x16xf32, #tpu.memory_space<vmem>> -> memref<128x16xf32, #tpu.memory_space<vmem>>
      %dma_wait3A_30 = arith.constant 0 : i32
      %dma_wait3A_31 = tpu.memref_slice %arg8[%add3A_6, %dma_wait3A_30] : memref<10112x16xf32, #tpu.memory_space<vmem_shared>> -> memref<128x16xf32, #tpu.memory_space<vmem_shared>>
      %dma_wait3A_32 = arith.constant 0 : i32
      %dma_wait3A_33 = tpu.memref_slice %arg8[%add3A_6, %dma_wait3A_32] : memref<10112x16xf32, #tpu.memory_space<vmem_shared>> -> memref<128x16xf32, #tpu.memory_space<vmem_shared>>
      %dma_wait3A_34 = arith.constant 0 : i32
      %dma_wait3A_35 = arith.constant 0 : i32
      %dma_wait3A_36 = tpu.memref_slice %arg7[%dma_wait3A_34, %dma_wait3A_35] : memref<128x16xf32, #tpu.memory_space<vmem>> -> memref<128x16xf32, #tpu.memory_space<vmem>>
      tpu.wait_dma2 semaphore(%run_scoped3A : memref<!tpu.dma_semaphore, #tpu.memory_space<semaphore_mem>>) src(%dma_wait3A_36 : memref<128x16xf32, #tpu.memory_space<vmem>>) dst(%dma_wait3A_33 : memref<128x16xf32, #tpu.memory_space<vmem_shared>>)
      tpu.yield
    }) : () -> ()
    %add3A_7 = arith.constant 256 : i32
    %add3A_8 = arith.addi %mul3A_2, %add3A_7 : i32
    "tpu.region"() ({
      %run_scoped3A = tpu.sem_alloc : memref<!tpu.dma_semaphore, #tpu.memory_space<semaphore_mem>>
      %dma_start3A = arith.constant 0 : i32
      %dma_start3A_19 = arith.constant 0 : i32
      %dma_start3A_20 = tpu.memref_slice %arg7[%dma_start3A, %dma_start3A_19] : memref<128x16xf32, #tpu.memory_space<vmem>> -> memref<128x16xf32, #tpu.memory_space<vmem>>
      %dma_start3A_21 = arith.constant 0 : i32
      %dma_start3A_22 = tpu.memref_slice %arg8[%add3A_8, %dma_start3A_21] : memref<10112x16xf32, #tpu.memory_space<vmem_shared>> -> memref<128x16xf32, #tpu.memory_space<vmem_shared>>
      %dma_start3A_23 = arith.constant 0 : i32
      %dma_start3A_24 = tpu.memref_slice %arg8[%add3A_8, %dma_start3A_23] : memref<10112x16xf32, #tpu.memory_space<vmem_shared>> -> memref<128x16xf32, #tpu.memory_space<vmem_shared>>
      %dma_start3A_25 = arith.constant 0 : i32
      %dma_start3A_26 = arith.constant 0 : i32
      %dma_start3A_27 = tpu.memref_slice %arg7[%dma_start3A_25, %dma_start3A_26] : memref<128x16xf32, #tpu.memory_space<vmem>> -> memref<128x16xf32, #tpu.memory_space<vmem>>
      tpu.enqueue_dma source(%dma_start3A_27 : memref<128x16xf32, #tpu.memory_space<vmem>>) target(%dma_start3A_24 : memref<128x16xf32, #tpu.memory_space<vmem_shared>>) target_semaphore(%run_scoped3A : memref<!tpu.dma_semaphore, #tpu.memory_space<semaphore_mem>>)
      %dma_wait3A = arith.constant 0 : i32
      %dma_wait3A_28 = arith.constant 0 : i32
      %dma_wait3A_29 = tpu.memref_slice %arg7[%dma_wait3A, %dma_wait3A_28] : memref<128x16xf32, #tpu.memory_space<vmem>> -> memref<128x16xf32, #tpu.memory_space<vmem>>
      %dma_wait3A_30 = arith.constant 0 : i32
      %dma_wait3A_31 = tpu.memref_slice %arg8[%add3A_8, %dma_wait3A_30] : memref<10112x16xf32, #tpu.memory_space<vmem_shared>> -> memref<128x16xf32, #tpu.memory_space<vmem_shared>>
      %dma_wait3A_32 = arith.constant 0 : i32
      %dma_wait3A_33 = tpu.memref_slice %arg8[%add3A_8, %dma_wait3A_32] : memref<10112x16xf32, #tpu.memory_space<vmem_shared>> -> memref<128x16xf32, #tpu.memory_space<vmem_shared>>
      %dma_wait3A_34 = arith.constant 0 : i32
      %dma_wait3A_35 = arith.constant 0 : i32
      %dma_wait3A_36 = tpu.memref_slice %arg7[%dma_wait3A_34, %dma_wait3A_35] : memref<128x16xf32, #tpu.memory_space<vmem>> -> memref<128x16xf32, #tpu.memory_space<vmem>>
      tpu.wait_dma2 semaphore(%run_scoped3A : memref<!tpu.dma_semaphore, #tpu.memory_space<semaphore_mem>>) src(%dma_wait3A_36 : memref<128x16xf32, #tpu.memory_space<vmem>>) dst(%dma_wait3A_33 : memref<128x16xf32, #tpu.memory_space<vmem_shared>>)
      tpu.yield
    }) : () -> ()
    %add3A_9 = arith.constant 384 : i32
    %add3A_10 = arith.addi %mul3A_2, %add3A_9 : i32
    "tpu.region"() ({
      %run_scoped3A = tpu.sem_alloc : memref<!tpu.dma_semaphore, #tpu.memory_space<semaphore_mem>>
      %dma_start3A = arith.constant 0 : i32
      %dma_start3A_19 = arith.constant 0 : i32
      %dma_start3A_20 = tpu.memref_slice %arg7[%dma_start3A, %dma_start3A_19] : memref<128x16xf32, #tpu.memory_space<vmem>> -> memref<128x16xf32, #tpu.memory_space<vmem>>
      %dma_start3A_21 = arith.constant 0 : i32
      %dma_start3A_22 = tpu.memref_slice %arg8[%add3A_10, %dma_start3A_21] : memref<10112x16xf32, #tpu.memory_space<vmem_shared>> -> memref<128x16xf32, #tpu.memory_space<vmem_shared>>
      %dma_start3A_23 = arith.constant 0 : i32
      %dma_start3A_24 = tpu.memref_slice %arg8[%add3A_10, %dma_start3A_23] : memref<10112x16xf32, #tpu.memory_space<vmem_shared>> -> memref<128x16xf32, #tpu.memory_space<vmem_shared>>
      %dma_start3A_25 = arith.constant 0 : i32
      %dma_start3A_26 = arith.constant 0 : i32
      %dma_start3A_27 = tpu.memref_slice %arg7[%dma_start3A_25, %dma_start3A_26] : memref<128x16xf32, #tpu.memory_space<vmem>> -> memref<128x16xf32, #tpu.memory_space<vmem>>
      tpu.enqueue_dma source(%dma_start3A_27 : memref<128x16xf32, #tpu.memory_space<vmem>>) target(%dma_start3A_24 : memref<128x16xf32, #tpu.memory_space<vmem_shared>>) target_semaphore(%run_scoped3A : memref<!tpu.dma_semaphore, #tpu.memory_space<semaphore_mem>>)
      %dma_wait3A = arith.constant 0 : i32
      %dma_wait3A_28 = arith.constant 0 : i32
      %dma_wait3A_29 = tpu.memref_slice %arg7[%dma_wait3A, %dma_wait3A_28] : memref<128x16xf32, #tpu.memory_space<vmem>> -> memref<128x16xf32, #tpu.memory_space<vmem>>
      %dma_wait3A_30 = arith.constant 0 : i32
      %dma_wait3A_31 = tpu.memref_slice %arg8[%add3A_10, %dma_wait3A_30] : memref<10112x16xf32, #tpu.memory_space<vmem_shared>> -> memref<128x16xf32, #tpu.memory_space<vmem_shared>>
      %dma_wait3A_32 = arith.constant 0 : i32
      %dma_wait3A_33 = tpu.memref_slice %arg8[%add3A_10, %dma_wait3A_32] : memref<10112x16xf32, #tpu.memory_space<vmem_shared>> -> memref<128x16xf32, #tpu.memory_space<vmem_shared>>
      %dma_wait3A_34 = arith.constant 0 : i32
      %dma_wait3A_35 = arith.constant 0 : i32
      %dma_wait3A_36 = tpu.memref_slice %arg7[%dma_wait3A_34, %dma_wait3A_35] : memref<128x16xf32, #tpu.memory_space<vmem>> -> memref<128x16xf32, #tpu.memory_space<vmem>>
      tpu.wait_dma2 semaphore(%run_scoped3A : memref<!tpu.dma_semaphore, #tpu.memory_space<semaphore_mem>>) src(%dma_wait3A_36 : memref<128x16xf32, #tpu.memory_space<vmem>>) dst(%dma_wait3A_33 : memref<128x16xf32, #tpu.memory_space<vmem_shared>>)
      tpu.yield
    }) : () -> ()
    %add3A_11 = arith.constant 512 : i32
    %add3A_12 = arith.addi %mul3A_2, %add3A_11 : i32
    "tpu.region"() ({
      %run_scoped3A = tpu.sem_alloc : memref<!tpu.dma_semaphore, #tpu.memory_space<semaphore_mem>>
      %dma_start3A = arith.constant 0 : i32
      %dma_start3A_19 = arith.constant 0 : i32
      %dma_start3A_20 = tpu.memref_slice %arg7[%dma_start3A, %dma_start3A_19] : memref<128x16xf32, #tpu.memory_space<vmem>> -> memref<120x16xf32, #tpu.memory_space<vmem>>
      %dma_start3A_21 = arith.constant 0 : i32
      %dma_start3A_22 = tpu.memref_slice %arg8[%add3A_12, %dma_start3A_21] : memref<10112x16xf32, #tpu.memory_space<vmem_shared>> -> memref<120x16xf32, #tpu.memory_space<vmem_shared>>
      %dma_start3A_23 = arith.constant 0 : i32
      %dma_start3A_24 = tpu.memref_slice %arg8[%add3A_12, %dma_start3A_23] : memref<10112x16xf32, #tpu.memory_space<vmem_shared>> -> memref<120x16xf32, #tpu.memory_space<vmem_shared>>
      %dma_start3A_25 = arith.constant 0 : i32
      %dma_start3A_26 = arith.constant 0 : i32
      %dma_start3A_27 = tpu.memref_slice %arg7[%dma_start3A_25, %dma_start3A_26] : memref<128x16xf32, #tpu.memory_space<vmem>> -> memref<120x16xf32, #tpu.memory_space<vmem>>
      tpu.enqueue_dma source(%dma_start3A_27 : memref<120x16xf32, #tpu.memory_space<vmem>>) target(%dma_start3A_24 : memref<120x16xf32, #tpu.memory_space<vmem_shared>>) target_semaphore(%run_scoped3A : memref<!tpu.dma_semaphore, #tpu.memory_space<semaphore_mem>>)
      %dma_wait3A = arith.constant 0 : i32
      %dma_wait3A_28 = arith.constant 0 : i32
      %dma_wait3A_29 = tpu.memref_slice %arg7[%dma_wait3A, %dma_wait3A_28] : memref<128x16xf32, #tpu.memory_space<vmem>> -> memref<120x16xf32, #tpu.memory_space<vmem>>
      %dma_wait3A_30 = arith.constant 0 : i32
      %dma_wait3A_31 = tpu.memref_slice %arg8[%add3A_12, %dma_wait3A_30] : memref<10112x16xf32, #tpu.memory_space<vmem_shared>> -> memref<120x16xf32, #tpu.memory_space<vmem_shared>>
      %dma_wait3A_32 = arith.constant 0 : i32
      %dma_wait3A_33 = tpu.memref_slice %arg8[%add3A_12, %dma_wait3A_32] : memref<10112x16xf32, #tpu.memory_space<vmem_shared>> -> memref<120x16xf32, #tpu.memory_space<vmem_shared>>
      %dma_wait3A_34 = arith.constant 0 : i32
      %dma_wait3A_35 = arith.constant 0 : i32
      %dma_wait3A_36 = tpu.memref_slice %arg7[%dma_wait3A_34, %dma_wait3A_35] : memref<128x16xf32, #tpu.memory_space<vmem>> -> memref<120x16xf32, #tpu.memory_space<vmem>>
      tpu.wait_dma2 semaphore(%run_scoped3A : memref<!tpu.dma_semaphore, #tpu.memory_space<semaphore_mem>>) src(%dma_wait3A_36 : memref<120x16xf32, #tpu.memory_space<vmem>>) dst(%dma_wait3A_33 : memref<120x16xf32, #tpu.memory_space<vmem_shared>>)
      tpu.yield
    }) : () -> ()
    "tpu.region"() ({
      %run_scoped3A = tpu.sem_alloc : memref<!tpu.dma_semaphore, #tpu.memory_space<semaphore_mem>>
      tpu.enqueue_dma source(%arg3 : memref<128x16xf32, #tpu.memory_space<hbm>>) target(%arg7 : memref<128x16xf32, #tpu.memory_space<vmem>>) target_semaphore(%run_scoped3A : memref<!tpu.dma_semaphore, #tpu.memory_space<semaphore_mem>>)
      tpu.wait_dma2 semaphore(%run_scoped3A : memref<!tpu.dma_semaphore, #tpu.memory_space<semaphore_mem>>) src(%arg3 : memref<128x16xf32, #tpu.memory_space<hbm>>) dst(%arg7 : memref<128x16xf32, #tpu.memory_space<vmem>>)
      tpu.yield
    }) : () -> ()
    %barrier3A = arith.constant 0 : index
    tpu.barrier barrier_id(%barrier3A)
    %scan3A = arith.constant 0 : i32
    %scan3A_13 = arith.constant 0 : i32
    %scan3A_14 = arith.constant 79 : i32
    %scan3A_15 = arith.addi %scan3A_13, %scan3A_14 : i32
    %scan3A_16 = arith.constant 1 : i32
    scf.for %scan3A_19 = %scan3A_13 to %scan3A_15 step %scan3A_16  : i32 {
      "tpu.region"() ({
        %run_scoped3A = tpu.sem_alloc : memref<!tpu.dma_semaphore, #tpu.memory_space<semaphore_mem>>
        %dma_start3A = arith.constant 0 : i32
        %dma_start3A_20 = tpu.memref_slice %arg6[%scan3A_19, %dma_start3A] : memref<79x128xi32, #tpu.memory_space<vmem>> -> memref<1x128xi32, #tpu.memory_space<vmem>>
        %dma_start3A_21 = tpu.memref_squeeze %dma_start3A_20 : memref<1x128xi32, #tpu.memory_space<vmem>> -> memref<128xi32, #tpu.memory_space<vmem>>
        %dma_start3A_22 = arith.constant 0 : i32
        %dma_start3A_23 = arith.constant 0 : i32
        %dma_start3A_24 = tpu.memref_slice %arg8[%dma_start3A_22, %dma_start3A_23] : memref<10112x16xf32, #tpu.memory_space<vmem_shared>> -> memref<10112x16xf32, #tpu.memory_space<vmem_shared>>
        tpu.enqueue_indirect_dma source(%arg7 : memref<128x16xf32, #tpu.memory_space<vmem>>) target(%dma_start3A_24 : memref<10112x16xf32, #tpu.memory_space<vmem_shared>>) offsets(%dma_start3A_21 : memref<128xi32, #tpu.memory_space<vmem>>) semaphore(%run_scoped3A : memref<!tpu.dma_semaphore, #tpu.memory_space<semaphore_mem>>) {add = true}
        %dma_wait3A = arith.constant 0 : i32
        %dma_wait3A_25 = tpu.memref_slice %arg6[%scan3A_19, %dma_wait3A] : memref<79x128xi32, #tpu.memory_space<vmem>> -> memref<1x128xi32, #tpu.memory_space<vmem>>
        %dma_wait3A_26 = tpu.memref_squeeze %dma_wait3A_25 : memref<1x128xi32, #tpu.memory_space<vmem>> -> memref<128xi32, #tpu.memory_space<vmem>>
        %dma_wait3A_27 = arith.constant 0 : i32
        %dma_wait3A_28 = arith.constant 0 : i32
        %dma_wait3A_29 = tpu.memref_slice %arg8[%dma_wait3A_27, %dma_wait3A_28] : memref<10112x16xf32, #tpu.memory_space<vmem_shared>> -> memref<10112x16xf32, #tpu.memory_space<vmem_shared>>
        tpu.wait_indirect_dma semaphore(%run_scoped3A : memref<!tpu.dma_semaphore, #tpu.memory_space<semaphore_mem>>) src(%arg7 : memref<128x16xf32, #tpu.memory_space<vmem>>) dst(%dma_wait3A_29 : memref<10112x16xf32, #tpu.memory_space<vmem_shared>>)
        tpu.yield
      }) : () -> ()
    }
    %scan3A_17 = arith.constant 79 : i32
    %barrier3A_18 = arith.constant 0 : index
    tpu.barrier barrier_id(%barrier3A_18)
    "tpu.region"() ({
      %run_scoped3A = tpu.sem_alloc : memref<!tpu.dma_semaphore, #tpu.memory_space<semaphore_mem>>
      %dma_start3A = arith.constant 0 : i32
      %dma_start3A_19 = tpu.memref_slice %arg5[%arg0, %mul3A_2, %dma_start3A] : memref<2x10112x16xf32, #tpu.memory_space<hbm>> -> memref<1x632x16xf32, #tpu.memory_space<hbm>>
      %dma_start3A_20 = tpu.memref_squeeze %dma_start3A_19 : memref<1x632x16xf32, #tpu.memory_space<hbm>> -> memref<632x16xf32, #tpu.memory_space<hbm>>
      %dma_start3A_21 = arith.constant 0 : i32
      %dma_start3A_22 = tpu.memref_slice %arg8[%mul3A_2, %dma_start3A_21] : memref<10112x16xf32, #tpu.memory_space<vmem_shared>> -> memref<632x16xf32, #tpu.memory_space<vmem_shared>>
      tpu.enqueue_dma source(%dma_start3A_22 : memref<632x16xf32, #tpu.memory_space<vmem_shared>>) target(%dma_start3A_20 : memref<632x16xf32, #tpu.memory_space<hbm>>) target_semaphore(%run_scoped3A : memref<!tpu.dma_semaphore, #tpu.memory_space<semaphore_mem>>)
      %dma_wait3A = arith.constant 0 : i32
      %dma_wait3A_23 = tpu.memref_slice %arg5[%arg0, %mul3A_2, %dma_wait3A] : memref<2x10112x16xf32, #tpu.memory_space<hbm>> -> memref<1x632x16xf32, #tpu.memory_space<hbm>>
      %dma_wait3A_24 = tpu.memref_squeeze %dma_wait3A_23 : memref<1x632x16xf32, #tpu.memory_space<hbm>> -> memref<632x16xf32, #tpu.memory_space<hbm>>
      %dma_wait3A_25 = arith.constant 0 : i32
      %dma_wait3A_26 = tpu.memref_slice %arg8[%mul3A_2, %dma_wait3A_25] : memref<10112x16xf32, #tpu.memory_space<vmem_shared>> -> memref<632x16xf32, #tpu.memory_space<vmem_shared>>
      tpu.wait_dma2 semaphore(%run_scoped3A : memref<!tpu.dma_semaphore, #tpu.memory_space<semaphore_mem>>) src(%dma_wait3A_26 : memref<632x16xf32, #tpu.memory_space<vmem_shared>>) dst(%dma_wait3A_24 : memref<632x16xf32, #tpu.memory_space<hbm>>)
      tpu.yield
    }) : () -> ()
    return
  }
}

#map = affine_map<(d0, d1) -> (0, 0)>
#map1 = affine_map<(d0, d1) -> (0, 0, 0)>
module attributes {stable_mosaic.version = 14 : i64} {
  func.func @_sc_spmm(%arg0: i32, %arg1: i32, %arg2: memref<10000x128xf32, #tpu.memory_space<hbm>>, %arg3: memref<32x79x128xi32, #tpu.memory_space<hbm>>, %arg4: memref<32x79x128xi32, #tpu.memory_space<hbm>>, %arg5: memref<128x128xf32, #tpu.memory_space<hbm>>, %arg6: memref<2x10112x128xf32, #tpu.memory_space<hbm>>, %arg7: memref<79x128xi32, #tpu.memory_space<vmem>>, %arg8: memref<79x128xi32, #tpu.memory_space<vmem>>, %arg9: memref<128x128xf32, #tpu.memory_space<vmem>>, %arg10: memref<10112x128xf32, #tpu.memory_space<vmem_shared>>, %arg11: memref<!tpu.dma_semaphore, #tpu.memory_space<semaphore_mem>>) attributes {dimension_semantics = [#tpu.dimension_semantics<core_parallel>, #tpu.dimension_semantics<subcore_parallel>], iteration_bounds = array<i64: 2, 16>, scalar_prefetch = 0 : i64, scratch_operands = 5 : i64, tpu.core_type = #tpu.core_type<sc_vector_subcore>, window_params = [{transform_indices = #map}, {transform_indices = #map1}, {transform_indices = #map1}, {transform_indices = #map}, {transform_indices = #map1}]} {
    %mul3A = arith.constant 16 : i32
    %mul3A_0 = arith.muli %arg0, %mul3A : i32
    %add3A = arith.addi %mul3A_0, %arg1 : i32
    "tpu.region"() ({
      %run_scoped3A = tpu.sem_alloc : memref<!tpu.dma_semaphore, #tpu.memory_space<semaphore_mem>>
      %dma_start3A = arith.constant 0 : i32
      %dma_start3A_19 = arith.constant 0 : i32
      %dma_start3A_20 = tpu.memref_slice %arg3[%add3A, %dma_start3A, %dma_start3A_19] : memref<32x79x128xi32, #tpu.memory_space<hbm>> -> memref<1x79x128xi32, #tpu.memory_space<hbm>>
      %dma_start3A_21 = tpu.memref_squeeze %dma_start3A_20 : memref<1x79x128xi32, #tpu.memory_space<hbm>> -> memref<79x128xi32, #tpu.memory_space<hbm>>
      %dma_start3A_22 = arith.constant 0 : i32
      %dma_start3A_23 = arith.constant 0 : i32
      %dma_start3A_24 = tpu.memref_slice %arg3[%add3A, %dma_start3A_22, %dma_start3A_23] : memref<32x79x128xi32, #tpu.memory_space<hbm>> -> memref<1x79x128xi32, #tpu.memory_space<hbm>>
      %dma_start3A_25 = tpu.memref_squeeze %dma_start3A_24 : memref<1x79x128xi32, #tpu.memory_space<hbm>> -> memref<79x128xi32, #tpu.memory_space<hbm>>
      tpu.enqueue_dma source(%dma_start3A_25 : memref<79x128xi32, #tpu.memory_space<hbm>>) target(%arg7 : memref<79x128xi32, #tpu.memory_space<vmem>>) target_semaphore(%run_scoped3A : memref<!tpu.dma_semaphore, #tpu.memory_space<semaphore_mem>>)
      %dma_wait3A = arith.constant 0 : i32
      %dma_wait3A_26 = arith.constant 0 : i32
      %dma_wait3A_27 = tpu.memref_slice %arg3[%add3A, %dma_wait3A, %dma_wait3A_26] : memref<32x79x128xi32, #tpu.memory_space<hbm>> -> memref<1x79x128xi32, #tpu.memory_space<hbm>>
      %dma_wait3A_28 = tpu.memref_squeeze %dma_wait3A_27 : memref<1x79x128xi32, #tpu.memory_space<hbm>> -> memref<79x128xi32, #tpu.memory_space<hbm>>
      %dma_wait3A_29 = arith.constant 0 : i32
      %dma_wait3A_30 = arith.constant 0 : i32
      %dma_wait3A_31 = tpu.memref_slice %arg3[%add3A, %dma_wait3A_29, %dma_wait3A_30] : memref<32x79x128xi32, #tpu.memory_space<hbm>> -> memref<1x79x128xi32, #tpu.memory_space<hbm>>
      %dma_wait3A_32 = tpu.memref_squeeze %dma_wait3A_31 : memref<1x79x128xi32, #tpu.memory_space<hbm>> -> memref<79x128xi32, #tpu.memory_space<hbm>>
      tpu.wait_dma2 semaphore(%run_scoped3A : memref<!tpu.dma_semaphore, #tpu.memory_space<semaphore_mem>>) src(%dma_wait3A_32 : memref<79x128xi32, #tpu.memory_space<hbm>>) dst(%arg7 : memref<79x128xi32, #tpu.memory_space<vmem>>)
      tpu.yield
    }) : () -> ()
    "tpu.region"() ({
      %run_scoped3A = tpu.sem_alloc : memref<!tpu.dma_semaphore, #tpu.memory_space<semaphore_mem>>
      %dma_start3A = arith.constant 0 : i32
      %dma_start3A_19 = arith.constant 0 : i32
      %dma_start3A_20 = tpu.memref_slice %arg4[%add3A, %dma_start3A, %dma_start3A_19] : memref<32x79x128xi32, #tpu.memory_space<hbm>> -> memref<1x79x128xi32, #tpu.memory_space<hbm>>
      %dma_start3A_21 = tpu.memref_squeeze %dma_start3A_20 : memref<1x79x128xi32, #tpu.memory_space<hbm>> -> memref<79x128xi32, #tpu.memory_space<hbm>>
      %dma_start3A_22 = arith.constant 0 : i32
      %dma_start3A_23 = arith.constant 0 : i32
      %dma_start3A_24 = tpu.memref_slice %arg4[%add3A, %dma_start3A_22, %dma_start3A_23] : memref<32x79x128xi32, #tpu.memory_space<hbm>> -> memref<1x79x128xi32, #tpu.memory_space<hbm>>
      %dma_start3A_25 = tpu.memref_squeeze %dma_start3A_24 : memref<1x79x128xi32, #tpu.memory_space<hbm>> -> memref<79x128xi32, #tpu.memory_space<hbm>>
      tpu.enqueue_dma source(%dma_start3A_25 : memref<79x128xi32, #tpu.memory_space<hbm>>) target(%arg8 : memref<79x128xi32, #tpu.memory_space<vmem>>) target_semaphore(%run_scoped3A : memref<!tpu.dma_semaphore, #tpu.memory_space<semaphore_mem>>)
      %dma_wait3A = arith.constant 0 : i32
      %dma_wait3A_26 = arith.constant 0 : i32
      %dma_wait3A_27 = tpu.memref_slice %arg4[%add3A, %dma_wait3A, %dma_wait3A_26] : memref<32x79x128xi32, #tpu.memory_space<hbm>> -> memref<1x79x128xi32, #tpu.memory_space<hbm>>
      %dma_wait3A_28 = tpu.memref_squeeze %dma_wait3A_27 : memref<1x79x128xi32, #tpu.memory_space<hbm>> -> memref<79x128xi32, #tpu.memory_space<hbm>>
      %dma_wait3A_29 = arith.constant 0 : i32
      %dma_wait3A_30 = arith.constant 0 : i32
      %dma_wait3A_31 = tpu.memref_slice %arg4[%add3A, %dma_wait3A_29, %dma_wait3A_30] : memref<32x79x128xi32, #tpu.memory_space<hbm>> -> memref<1x79x128xi32, #tpu.memory_space<hbm>>
      %dma_wait3A_32 = tpu.memref_squeeze %dma_wait3A_31 : memref<1x79x128xi32, #tpu.memory_space<hbm>> -> memref<79x128xi32, #tpu.memory_space<hbm>>
      tpu.wait_dma2 semaphore(%run_scoped3A : memref<!tpu.dma_semaphore, #tpu.memory_space<semaphore_mem>>) src(%dma_wait3A_32 : memref<79x128xi32, #tpu.memory_space<hbm>>) dst(%arg8 : memref<79x128xi32, #tpu.memory_space<vmem>>)
      tpu.yield
    }) : () -> ()
    "tpu.region"() ({
      %run_scoped3A = tpu.sem_alloc : memref<!tpu.dma_semaphore, #tpu.memory_space<semaphore_mem>>
      tpu.enqueue_dma source(%arg5 : memref<128x128xf32, #tpu.memory_space<hbm>>) target(%arg9 : memref<128x128xf32, #tpu.memory_space<vmem>>) target_semaphore(%run_scoped3A : memref<!tpu.dma_semaphore, #tpu.memory_space<semaphore_mem>>)
      tpu.wait_dma2 semaphore(%run_scoped3A : memref<!tpu.dma_semaphore, #tpu.memory_space<semaphore_mem>>) src(%arg5 : memref<128x128xf32, #tpu.memory_space<hbm>>) dst(%arg9 : memref<128x128xf32, #tpu.memory_space<vmem>>)
      tpu.yield
    }) : () -> ()
    %mul3A_1 = arith.constant 632 : i32
    %mul3A_2 = arith.muli %arg1, %mul3A_1 : i32
    %add3A_3 = arith.constant 0 : i32
    %add3A_4 = arith.addi %mul3A_2, %add3A_3 : i32
    "tpu.region"() ({
      %run_scoped3A = tpu.sem_alloc : memref<!tpu.dma_semaphore, #tpu.memory_space<semaphore_mem>>
      %dma_start3A = arith.constant 0 : i32
      %dma_start3A_19 = arith.constant 0 : i32
      %dma_start3A_20 = tpu.memref_slice %arg9[%dma_start3A, %dma_start3A_19] : memref<128x128xf32, #tpu.memory_space<vmem>> -> memref<128x128xf32, #tpu.memory_space<vmem>>
      %dma_start3A_21 = arith.constant 0 : i32
      %dma_start3A_22 = tpu.memref_slice %arg10[%add3A_4, %dma_start3A_21] : memref<10112x128xf32, #tpu.memory_space<vmem_shared>> -> memref<128x128xf32, #tpu.memory_space<vmem_shared>>
      %dma_start3A_23 = arith.constant 0 : i32
      %dma_start3A_24 = tpu.memref_slice %arg10[%add3A_4, %dma_start3A_23] : memref<10112x128xf32, #tpu.memory_space<vmem_shared>> -> memref<128x128xf32, #tpu.memory_space<vmem_shared>>
      %dma_start3A_25 = arith.constant 0 : i32
      %dma_start3A_26 = arith.constant 0 : i32
      %dma_start3A_27 = tpu.memref_slice %arg9[%dma_start3A_25, %dma_start3A_26] : memref<128x128xf32, #tpu.memory_space<vmem>> -> memref<128x128xf32, #tpu.memory_space<vmem>>
      tpu.enqueue_dma source(%dma_start3A_27 : memref<128x128xf32, #tpu.memory_space<vmem>>) target(%dma_start3A_24 : memref<128x128xf32, #tpu.memory_space<vmem_shared>>) target_semaphore(%run_scoped3A : memref<!tpu.dma_semaphore, #tpu.memory_space<semaphore_mem>>)
      %dma_wait3A = arith.constant 0 : i32
      %dma_wait3A_28 = arith.constant 0 : i32
      %dma_wait3A_29 = tpu.memref_slice %arg9[%dma_wait3A, %dma_wait3A_28] : memref<128x128xf32, #tpu.memory_space<vmem>> -> memref<128x128xf32, #tpu.memory_space<vmem>>
      %dma_wait3A_30 = arith.constant 0 : i32
      %dma_wait3A_31 = tpu.memref_slice %arg10[%add3A_4, %dma_wait3A_30] : memref<10112x128xf32, #tpu.memory_space<vmem_shared>> -> memref<128x128xf32, #tpu.memory_space<vmem_shared>>
      %dma_wait3A_32 = arith.constant 0 : i32
      %dma_wait3A_33 = tpu.memref_slice %arg10[%add3A_4, %dma_wait3A_32] : memref<10112x128xf32, #tpu.memory_space<vmem_shared>> -> memref<128x128xf32, #tpu.memory_space<vmem_shared>>
      %dma_wait3A_34 = arith.constant 0 : i32
      %dma_wait3A_35 = arith.constant 0 : i32
      %dma_wait3A_36 = tpu.memref_slice %arg9[%dma_wait3A_34, %dma_wait3A_35] : memref<128x128xf32, #tpu.memory_space<vmem>> -> memref<128x128xf32, #tpu.memory_space<vmem>>
      tpu.wait_dma2 semaphore(%run_scoped3A : memref<!tpu.dma_semaphore, #tpu.memory_space<semaphore_mem>>) src(%dma_wait3A_36 : memref<128x128xf32, #tpu.memory_space<vmem>>) dst(%dma_wait3A_33 : memref<128x128xf32, #tpu.memory_space<vmem_shared>>)
      tpu.yield
    }) : () -> ()
    %add3A_5 = arith.constant 128 : i32
    %add3A_6 = arith.addi %mul3A_2, %add3A_5 : i32
    "tpu.region"() ({
      %run_scoped3A = tpu.sem_alloc : memref<!tpu.dma_semaphore, #tpu.memory_space<semaphore_mem>>
      %dma_start3A = arith.constant 0 : i32
      %dma_start3A_19 = arith.constant 0 : i32
      %dma_start3A_20 = tpu.memref_slice %arg9[%dma_start3A, %dma_start3A_19] : memref<128x128xf32, #tpu.memory_space<vmem>> -> memref<128x128xf32, #tpu.memory_space<vmem>>
      %dma_start3A_21 = arith.constant 0 : i32
      %dma_start3A_22 = tpu.memref_slice %arg10[%add3A_6, %dma_start3A_21] : memref<10112x128xf32, #tpu.memory_space<vmem_shared>> -> memref<128x128xf32, #tpu.memory_space<vmem_shared>>
      %dma_start3A_23 = arith.constant 0 : i32
      %dma_start3A_24 = tpu.memref_slice %arg10[%add3A_6, %dma_start3A_23] : memref<10112x128xf32, #tpu.memory_space<vmem_shared>> -> memref<128x128xf32, #tpu.memory_space<vmem_shared>>
      %dma_start3A_25 = arith.constant 0 : i32
      %dma_start3A_26 = arith.constant 0 : i32
      %dma_start3A_27 = tpu.memref_slice %arg9[%dma_start3A_25, %dma_start3A_26] : memref<128x128xf32, #tpu.memory_space<vmem>> -> memref<128x128xf32, #tpu.memory_space<vmem>>
      tpu.enqueue_dma source(%dma_start3A_27 : memref<128x128xf32, #tpu.memory_space<vmem>>) target(%dma_start3A_24 : memref<128x128xf32, #tpu.memory_space<vmem_shared>>) target_semaphore(%run_scoped3A : memref<!tpu.dma_semaphore, #tpu.memory_space<semaphore_mem>>)
      %dma_wait3A = arith.constant 0 : i32
      %dma_wait3A_28 = arith.constant 0 : i32
      %dma_wait3A_29 = tpu.memref_slice %arg9[%dma_wait3A, %dma_wait3A_28] : memref<128x128xf32, #tpu.memory_space<vmem>> -> memref<128x128xf32, #tpu.memory_space<vmem>>
      %dma_wait3A_30 = arith.constant 0 : i32
      %dma_wait3A_31 = tpu.memref_slice %arg10[%add3A_6, %dma_wait3A_30] : memref<10112x128xf32, #tpu.memory_space<vmem_shared>> -> memref<128x128xf32, #tpu.memory_space<vmem_shared>>
      %dma_wait3A_32 = arith.constant 0 : i32
      %dma_wait3A_33 = tpu.memref_slice %arg10[%add3A_6, %dma_wait3A_32] : memref<10112x128xf32, #tpu.memory_space<vmem_shared>> -> memref<128x128xf32, #tpu.memory_space<vmem_shared>>
      %dma_wait3A_34 = arith.constant 0 : i32
      %dma_wait3A_35 = arith.constant 0 : i32
      %dma_wait3A_36 = tpu.memref_slice %arg9[%dma_wait3A_34, %dma_wait3A_35] : memref<128x128xf32, #tpu.memory_space<vmem>> -> memref<128x128xf32, #tpu.memory_space<vmem>>
      tpu.wait_dma2 semaphore(%run_scoped3A : memref<!tpu.dma_semaphore, #tpu.memory_space<semaphore_mem>>) src(%dma_wait3A_36 : memref<128x128xf32, #tpu.memory_space<vmem>>) dst(%dma_wait3A_33 : memref<128x128xf32, #tpu.memory_space<vmem_shared>>)
      tpu.yield
    }) : () -> ()
    %add3A_7 = arith.constant 256 : i32
    %add3A_8 = arith.addi %mul3A_2, %add3A_7 : i32
    "tpu.region"() ({
      %run_scoped3A = tpu.sem_alloc : memref<!tpu.dma_semaphore, #tpu.memory_space<semaphore_mem>>
      %dma_start3A = arith.constant 0 : i32
      %dma_start3A_19 = arith.constant 0 : i32
      %dma_start3A_20 = tpu.memref_slice %arg9[%dma_start3A, %dma_start3A_19] : memref<128x128xf32, #tpu.memory_space<vmem>> -> memref<128x128xf32, #tpu.memory_space<vmem>>
      %dma_start3A_21 = arith.constant 0 : i32
      %dma_start3A_22 = tpu.memref_slice %arg10[%add3A_8, %dma_start3A_21] : memref<10112x128xf32, #tpu.memory_space<vmem_shared>> -> memref<128x128xf32, #tpu.memory_space<vmem_shared>>
      %dma_start3A_23 = arith.constant 0 : i32
      %dma_start3A_24 = tpu.memref_slice %arg10[%add3A_8, %dma_start3A_23] : memref<10112x128xf32, #tpu.memory_space<vmem_shared>> -> memref<128x128xf32, #tpu.memory_space<vmem_shared>>
      %dma_start3A_25 = arith.constant 0 : i32
      %dma_start3A_26 = arith.constant 0 : i32
      %dma_start3A_27 = tpu.memref_slice %arg9[%dma_start3A_25, %dma_start3A_26] : memref<128x128xf32, #tpu.memory_space<vmem>> -> memref<128x128xf32, #tpu.memory_space<vmem>>
      tpu.enqueue_dma source(%dma_start3A_27 : memref<128x128xf32, #tpu.memory_space<vmem>>) target(%dma_start3A_24 : memref<128x128xf32, #tpu.memory_space<vmem_shared>>) target_semaphore(%run_scoped3A : memref<!tpu.dma_semaphore, #tpu.memory_space<semaphore_mem>>)
      %dma_wait3A = arith.constant 0 : i32
      %dma_wait3A_28 = arith.constant 0 : i32
      %dma_wait3A_29 = tpu.memref_slice %arg9[%dma_wait3A, %dma_wait3A_28] : memref<128x128xf32, #tpu.memory_space<vmem>> -> memref<128x128xf32, #tpu.memory_space<vmem>>
      %dma_wait3A_30 = arith.constant 0 : i32
      %dma_wait3A_31 = tpu.memref_slice %arg10[%add3A_8, %dma_wait3A_30] : memref<10112x128xf32, #tpu.memory_space<vmem_shared>> -> memref<128x128xf32, #tpu.memory_space<vmem_shared>>
      %dma_wait3A_32 = arith.constant 0 : i32
      %dma_wait3A_33 = tpu.memref_slice %arg10[%add3A_8, %dma_wait3A_32] : memref<10112x128xf32, #tpu.memory_space<vmem_shared>> -> memref<128x128xf32, #tpu.memory_space<vmem_shared>>
      %dma_wait3A_34 = arith.constant 0 : i32
      %dma_wait3A_35 = arith.constant 0 : i32
      %dma_wait3A_36 = tpu.memref_slice %arg9[%dma_wait3A_34, %dma_wait3A_35] : memref<128x128xf32, #tpu.memory_space<vmem>> -> memref<128x128xf32, #tpu.memory_space<vmem>>
      tpu.wait_dma2 semaphore(%run_scoped3A : memref<!tpu.dma_semaphore, #tpu.memory_space<semaphore_mem>>) src(%dma_wait3A_36 : memref<128x128xf32, #tpu.memory_space<vmem>>) dst(%dma_wait3A_33 : memref<128x128xf32, #tpu.memory_space<vmem_shared>>)
      tpu.yield
    }) : () -> ()
    %add3A_9 = arith.constant 384 : i32
    %add3A_10 = arith.addi %mul3A_2, %add3A_9 : i32
    "tpu.region"() ({
      %run_scoped3A = tpu.sem_alloc : memref<!tpu.dma_semaphore, #tpu.memory_space<semaphore_mem>>
      %dma_start3A = arith.constant 0 : i32
      %dma_start3A_19 = arith.constant 0 : i32
      %dma_start3A_20 = tpu.memref_slice %arg9[%dma_start3A, %dma_start3A_19] : memref<128x128xf32, #tpu.memory_space<vmem>> -> memref<128x128xf32, #tpu.memory_space<vmem>>
      %dma_start3A_21 = arith.constant 0 : i32
      %dma_start3A_22 = tpu.memref_slice %arg10[%add3A_10, %dma_start3A_21] : memref<10112x128xf32, #tpu.memory_space<vmem_shared>> -> memref<128x128xf32, #tpu.memory_space<vmem_shared>>
      %dma_start3A_23 = arith.constant 0 : i32
      %dma_start3A_24 = tpu.memref_slice %arg10[%add3A_10, %dma_start3A_23] : memref<10112x128xf32, #tpu.memory_space<vmem_shared>> -> memref<128x128xf32, #tpu.memory_space<vmem_shared>>
      %dma_start3A_25 = arith.constant 0 : i32
      %dma_start3A_26 = arith.constant 0 : i32
      %dma_start3A_27 = tpu.memref_slice %arg9[%dma_start3A_25, %dma_start3A_26] : memref<128x128xf32, #tpu.memory_space<vmem>> -> memref<128x128xf32, #tpu.memory_space<vmem>>
      tpu.enqueue_dma source(%dma_start3A_27 : memref<128x128xf32, #tpu.memory_space<vmem>>) target(%dma_start3A_24 : memref<128x128xf32, #tpu.memory_space<vmem_shared>>) target_semaphore(%run_scoped3A : memref<!tpu.dma_semaphore, #tpu.memory_space<semaphore_mem>>)
      %dma_wait3A = arith.constant 0 : i32
      %dma_wait3A_28 = arith.constant 0 : i32
      %dma_wait3A_29 = tpu.memref_slice %arg9[%dma_wait3A, %dma_wait3A_28] : memref<128x128xf32, #tpu.memory_space<vmem>> -> memref<128x128xf32, #tpu.memory_space<vmem>>
      %dma_wait3A_30 = arith.constant 0 : i32
      %dma_wait3A_31 = tpu.memref_slice %arg10[%add3A_10, %dma_wait3A_30] : memref<10112x128xf32, #tpu.memory_space<vmem_shared>> -> memref<128x128xf32, #tpu.memory_space<vmem_shared>>
      %dma_wait3A_32 = arith.constant 0 : i32
      %dma_wait3A_33 = tpu.memref_slice %arg10[%add3A_10, %dma_wait3A_32] : memref<10112x128xf32, #tpu.memory_space<vmem_shared>> -> memref<128x128xf32, #tpu.memory_space<vmem_shared>>
      %dma_wait3A_34 = arith.constant 0 : i32
      %dma_wait3A_35 = arith.constant 0 : i32
      %dma_wait3A_36 = tpu.memref_slice %arg9[%dma_wait3A_34, %dma_wait3A_35] : memref<128x128xf32, #tpu.memory_space<vmem>> -> memref<128x128xf32, #tpu.memory_space<vmem>>
      tpu.wait_dma2 semaphore(%run_scoped3A : memref<!tpu.dma_semaphore, #tpu.memory_space<semaphore_mem>>) src(%dma_wait3A_36 : memref<128x128xf32, #tpu.memory_space<vmem>>) dst(%dma_wait3A_33 : memref<128x128xf32, #tpu.memory_space<vmem_shared>>)
      tpu.yield
    }) : () -> ()
    %add3A_11 = arith.constant 512 : i32
    %add3A_12 = arith.addi %mul3A_2, %add3A_11 : i32
    "tpu.region"() ({
      %run_scoped3A = tpu.sem_alloc : memref<!tpu.dma_semaphore, #tpu.memory_space<semaphore_mem>>
      %dma_start3A = arith.constant 0 : i32
      %dma_start3A_19 = arith.constant 0 : i32
      %dma_start3A_20 = tpu.memref_slice %arg9[%dma_start3A, %dma_start3A_19] : memref<128x128xf32, #tpu.memory_space<vmem>> -> memref<120x128xf32, #tpu.memory_space<vmem>>
      %dma_start3A_21 = arith.constant 0 : i32
      %dma_start3A_22 = tpu.memref_slice %arg10[%add3A_12, %dma_start3A_21] : memref<10112x128xf32, #tpu.memory_space<vmem_shared>> -> memref<120x128xf32, #tpu.memory_space<vmem_shared>>
      %dma_start3A_23 = arith.constant 0 : i32
      %dma_start3A_24 = tpu.memref_slice %arg10[%add3A_12, %dma_start3A_23] : memref<10112x128xf32, #tpu.memory_space<vmem_shared>> -> memref<120x128xf32, #tpu.memory_space<vmem_shared>>
      %dma_start3A_25 = arith.constant 0 : i32
      %dma_start3A_26 = arith.constant 0 : i32
      %dma_start3A_27 = tpu.memref_slice %arg9[%dma_start3A_25, %dma_start3A_26] : memref<128x128xf32, #tpu.memory_space<vmem>> -> memref<120x128xf32, #tpu.memory_space<vmem>>
      tpu.enqueue_dma source(%dma_start3A_27 : memref<120x128xf32, #tpu.memory_space<vmem>>) target(%dma_start3A_24 : memref<120x128xf32, #tpu.memory_space<vmem_shared>>) target_semaphore(%run_scoped3A : memref<!tpu.dma_semaphore, #tpu.memory_space<semaphore_mem>>)
      %dma_wait3A = arith.constant 0 : i32
      %dma_wait3A_28 = arith.constant 0 : i32
      %dma_wait3A_29 = tpu.memref_slice %arg9[%dma_wait3A, %dma_wait3A_28] : memref<128x128xf32, #tpu.memory_space<vmem>> -> memref<120x128xf32, #tpu.memory_space<vmem>>
      %dma_wait3A_30 = arith.constant 0 : i32
      %dma_wait3A_31 = tpu.memref_slice %arg10[%add3A_12, %dma_wait3A_30] : memref<10112x128xf32, #tpu.memory_space<vmem_shared>> -> memref<120x128xf32, #tpu.memory_space<vmem_shared>>
      %dma_wait3A_32 = arith.constant 0 : i32
      %dma_wait3A_33 = tpu.memref_slice %arg10[%add3A_12, %dma_wait3A_32] : memref<10112x128xf32, #tpu.memory_space<vmem_shared>> -> memref<120x128xf32, #tpu.memory_space<vmem_shared>>
      %dma_wait3A_34 = arith.constant 0 : i32
      %dma_wait3A_35 = arith.constant 0 : i32
      %dma_wait3A_36 = tpu.memref_slice %arg9[%dma_wait3A_34, %dma_wait3A_35] : memref<128x128xf32, #tpu.memory_space<vmem>> -> memref<120x128xf32, #tpu.memory_space<vmem>>
      tpu.wait_dma2 semaphore(%run_scoped3A : memref<!tpu.dma_semaphore, #tpu.memory_space<semaphore_mem>>) src(%dma_wait3A_36 : memref<120x128xf32, #tpu.memory_space<vmem>>) dst(%dma_wait3A_33 : memref<120x128xf32, #tpu.memory_space<vmem_shared>>)
      tpu.yield
    }) : () -> ()
    %barrier3A = arith.constant 0 : index
    tpu.barrier barrier_id(%barrier3A)
    %scan3A = arith.constant 0 : i32
    %scan3A_13 = arith.constant 0 : i32
    %scan3A_14 = arith.constant 79 : i32
    %scan3A_15 = arith.addi %scan3A_13, %scan3A_14 : i32
    %scan3A_16 = arith.constant 1 : i32
    scf.for %scan3A_19 = %scan3A_13 to %scan3A_15 step %scan3A_16  : i32 {
      %dma_start3A = arith.constant 0 : i32
      %dma_start3A_20 = tpu.memref_slice %arg7[%scan3A_19, %dma_start3A] : memref<79x128xi32, #tpu.memory_space<vmem>> -> memref<1x128xi32, #tpu.memory_space<vmem>>
      %dma_start3A_21 = tpu.memref_squeeze %dma_start3A_20 : memref<1x128xi32, #tpu.memory_space<vmem>> -> memref<128xi32, #tpu.memory_space<vmem>>
      %dma_start3A_22 = arith.constant 0 : i32
      %dma_start3A_23 = arith.constant 0 : i32
      %dma_start3A_24 = tpu.memref_slice %arg2[%dma_start3A_22, %dma_start3A_23] : memref<10000x128xf32, #tpu.memory_space<hbm>> -> memref<10000x128xf32, #tpu.memory_space<hbm>>
      tpu.enqueue_indirect_dma source(%dma_start3A_24 : memref<10000x128xf32, #tpu.memory_space<hbm>>) target(%arg9 : memref<128x128xf32, #tpu.memory_space<vmem>>) offsets(%dma_start3A_21 : memref<128xi32, #tpu.memory_space<vmem>>) semaphore(%arg11 : memref<!tpu.dma_semaphore, #tpu.memory_space<semaphore_mem>>)
      %dma_wait3A = arith.constant 0 : i32
      %dma_wait3A_25 = tpu.memref_slice %arg7[%scan3A_19, %dma_wait3A] : memref<79x128xi32, #tpu.memory_space<vmem>> -> memref<1x128xi32, #tpu.memory_space<vmem>>
      %dma_wait3A_26 = tpu.memref_squeeze %dma_wait3A_25 : memref<1x128xi32, #tpu.memory_space<vmem>> -> memref<128xi32, #tpu.memory_space<vmem>>
      %dma_wait3A_27 = arith.constant 0 : i32
      %dma_wait3A_28 = arith.constant 0 : i32
      %dma_wait3A_29 = tpu.memref_slice %arg2[%dma_wait3A_27, %dma_wait3A_28] : memref<10000x128xf32, #tpu.memory_space<hbm>> -> memref<10000x128xf32, #tpu.memory_space<hbm>>
      tpu.wait_indirect_dma semaphore(%arg11 : memref<!tpu.dma_semaphore, #tpu.memory_space<semaphore_mem>>) src(%dma_wait3A_29 : memref<10000x128xf32, #tpu.memory_space<hbm>>) dst(%arg9 : memref<128x128xf32, #tpu.memory_space<vmem>>)
      "tpu.region"() ({
        %run_scoped3A = tpu.sem_alloc : memref<!tpu.dma_semaphore, #tpu.memory_space<semaphore_mem>>
        %dma_start3A_30 = arith.constant 0 : i32
        %dma_start3A_31 = tpu.memref_slice %arg8[%scan3A_19, %dma_start3A_30] : memref<79x128xi32, #tpu.memory_space<vmem>> -> memref<1x128xi32, #tpu.memory_space<vmem>>
        %dma_start3A_32 = tpu.memref_squeeze %dma_start3A_31 : memref<1x128xi32, #tpu.memory_space<vmem>> -> memref<128xi32, #tpu.memory_space<vmem>>
        %dma_start3A_33 = arith.constant 0 : i32
        %dma_start3A_34 = arith.constant 0 : i32
        %dma_start3A_35 = tpu.memref_slice %arg10[%dma_start3A_33, %dma_start3A_34] : memref<10112x128xf32, #tpu.memory_space<vmem_shared>> -> memref<10112x128xf32, #tpu.memory_space<vmem_shared>>
        tpu.enqueue_indirect_dma source(%arg9 : memref<128x128xf32, #tpu.memory_space<vmem>>) target(%dma_start3A_35 : memref<10112x128xf32, #tpu.memory_space<vmem_shared>>) offsets(%dma_start3A_32 : memref<128xi32, #tpu.memory_space<vmem>>) semaphore(%run_scoped3A : memref<!tpu.dma_semaphore, #tpu.memory_space<semaphore_mem>>) {add = true}
        %dma_wait3A_36 = arith.constant 0 : i32
        %dma_wait3A_37 = tpu.memref_slice %arg8[%scan3A_19, %dma_wait3A_36] : memref<79x128xi32, #tpu.memory_space<vmem>> -> memref<1x128xi32, #tpu.memory_space<vmem>>
        %dma_wait3A_38 = tpu.memref_squeeze %dma_wait3A_37 : memref<1x128xi32, #tpu.memory_space<vmem>> -> memref<128xi32, #tpu.memory_space<vmem>>
        %dma_wait3A_39 = arith.constant 0 : i32
        %dma_wait3A_40 = arith.constant 0 : i32
        %dma_wait3A_41 = tpu.memref_slice %arg10[%dma_wait3A_39, %dma_wait3A_40] : memref<10112x128xf32, #tpu.memory_space<vmem_shared>> -> memref<10112x128xf32, #tpu.memory_space<vmem_shared>>
        tpu.wait_indirect_dma semaphore(%run_scoped3A : memref<!tpu.dma_semaphore, #tpu.memory_space<semaphore_mem>>) src(%arg9 : memref<128x128xf32, #tpu.memory_space<vmem>>) dst(%dma_wait3A_41 : memref<10112x128xf32, #tpu.memory_space<vmem_shared>>)
        tpu.yield
      }) : () -> ()
    }
    %scan3A_17 = arith.constant 79 : i32
    %barrier3A_18 = arith.constant 0 : index
    tpu.barrier barrier_id(%barrier3A_18)
    "tpu.region"() ({
      %run_scoped3A = tpu.sem_alloc : memref<!tpu.dma_semaphore, #tpu.memory_space<semaphore_mem>>
      %dma_start3A = arith.constant 0 : i32
      %dma_start3A_19 = tpu.memref_slice %arg6[%arg0, %mul3A_2, %dma_start3A] : memref<2x10112x128xf32, #tpu.memory_space<hbm>> -> memref<1x632x128xf32, #tpu.memory_space<hbm>>
      %dma_start3A_20 = tpu.memref_squeeze %dma_start3A_19 : memref<1x632x128xf32, #tpu.memory_space<hbm>> -> memref<632x128xf32, #tpu.memory_space<hbm>>
      %dma_start3A_21 = arith.constant 0 : i32
      %dma_start3A_22 = tpu.memref_slice %arg10[%mul3A_2, %dma_start3A_21] : memref<10112x128xf32, #tpu.memory_space<vmem_shared>> -> memref<632x128xf32, #tpu.memory_space<vmem_shared>>
      tpu.enqueue_dma source(%dma_start3A_22 : memref<632x128xf32, #tpu.memory_space<vmem_shared>>) target(%dma_start3A_20 : memref<632x128xf32, #tpu.memory_space<hbm>>) target_semaphore(%run_scoped3A : memref<!tpu.dma_semaphore, #tpu.memory_space<semaphore_mem>>)
      %dma_wait3A = arith.constant 0 : i32
      %dma_wait3A_23 = tpu.memref_slice %arg6[%arg0, %mul3A_2, %dma_wait3A] : memref<2x10112x128xf32, #tpu.memory_space<hbm>> -> memref<1x632x128xf32, #tpu.memory_space<hbm>>
      %dma_wait3A_24 = tpu.memref_squeeze %dma_wait3A_23 : memref<1x632x128xf32, #tpu.memory_space<hbm>> -> memref<632x128xf32, #tpu.memory_space<hbm>>
      %dma_wait3A_25 = arith.constant 0 : i32
      %dma_wait3A_26 = tpu.memref_slice %arg10[%mul3A_2, %dma_wait3A_25] : memref<10112x128xf32, #tpu.memory_space<vmem_shared>> -> memref<632x128xf32, #tpu.memory_space<vmem_shared>>
      tpu.wait_dma2 semaphore(%run_scoped3A : memref<!tpu.dma_semaphore, #tpu.memory_space<semaphore_mem>>) src(%dma_wait3A_26 : memref<632x128xf32, #tpu.memory_space<vmem_shared>>) dst(%dma_wait3A_24 : memref<632x128xf32, #tpu.memory_space<hbm>>)
      tpu.yield
    }) : () -> ()
    return
  }
}

#map = affine_map<(d0, d1) -> (0, 0)>
#map1 = affine_map<(d0, d1) -> (0, 0, 0)>
module attributes {stable_mosaic.version = 14 : i64} {
  func.func @_sc_spmm(%arg0: i32, %arg1: i32, %arg2: memref<10000x128xf32, #tpu.memory_space<hbm>>, %arg3: memref<32x79x128xi32, #tpu.memory_space<hbm>>, %arg4: memref<32x79x128xi32, #tpu.memory_space<hbm>>, %arg5: memref<128x128xf32, #tpu.memory_space<hbm>>, %arg6: memref<2x10112x128xf32, #tpu.memory_space<hbm>>, %arg7: memref<79x128xi32, #tpu.memory_space<vmem>>, %arg8: memref<79x128xi32, #tpu.memory_space<vmem>>, %arg9: memref<128x128xf32, #tpu.memory_space<vmem>>, %arg10: memref<10112x128xf32, #tpu.memory_space<vmem_shared>>, %arg11: memref<!tpu.dma_semaphore, #tpu.memory_space<semaphore_mem>>) attributes {dimension_semantics = [#tpu.dimension_semantics<core_parallel>, #tpu.dimension_semantics<subcore_parallel>], iteration_bounds = array<i64: 2, 16>, scalar_prefetch = 0 : i64, scratch_operands = 5 : i64, tpu.core_type = #tpu.core_type<sc_vector_subcore>, window_params = [{transform_indices = #map}, {transform_indices = #map1}, {transform_indices = #map1}, {transform_indices = #map}, {transform_indices = #map1}]} {
    %mul3A = arith.constant 16 : i32
    %mul3A_0 = arith.muli %arg0, %mul3A : i32
    %add3A = arith.addi %mul3A_0, %arg1 : i32
    "tpu.region"() ({
      %run_scoped3A = tpu.sem_alloc : memref<!tpu.dma_semaphore, #tpu.memory_space<semaphore_mem>>
      %dma_start3A = arith.constant 0 : i32
      %dma_start3A_19 = arith.constant 0 : i32
      %dma_start3A_20 = tpu.memref_slice %arg3[%add3A, %dma_start3A, %dma_start3A_19] : memref<32x79x128xi32, #tpu.memory_space<hbm>> -> memref<1x79x128xi32, #tpu.memory_space<hbm>>
      %dma_start3A_21 = tpu.memref_squeeze %dma_start3A_20 : memref<1x79x128xi32, #tpu.memory_space<hbm>> -> memref<79x128xi32, #tpu.memory_space<hbm>>
      %dma_start3A_22 = arith.constant 0 : i32
      %dma_start3A_23 = arith.constant 0 : i32
      %dma_start3A_24 = tpu.memref_slice %arg3[%add3A, %dma_start3A_22, %dma_start3A_23] : memref<32x79x128xi32, #tpu.memory_space<hbm>> -> memref<1x79x128xi32, #tpu.memory_space<hbm>>
      %dma_start3A_25 = tpu.memref_squeeze %dma_start3A_24 : memref<1x79x128xi32, #tpu.memory_space<hbm>> -> memref<79x128xi32, #tpu.memory_space<hbm>>
      tpu.enqueue_dma source(%dma_start3A_25 : memref<79x128xi32, #tpu.memory_space<hbm>>) target(%arg7 : memref<79x128xi32, #tpu.memory_space<vmem>>) target_semaphore(%run_scoped3A : memref<!tpu.dma_semaphore, #tpu.memory_space<semaphore_mem>>)
      %dma_wait3A = arith.constant 0 : i32
      %dma_wait3A_26 = arith.constant 0 : i32
      %dma_wait3A_27 = tpu.memref_slice %arg3[%add3A, %dma_wait3A, %dma_wait3A_26] : memref<32x79x128xi32, #tpu.memory_space<hbm>> -> memref<1x79x128xi32, #tpu.memory_space<hbm>>
      %dma_wait3A_28 = tpu.memref_squeeze %dma_wait3A_27 : memref<1x79x128xi32, #tpu.memory_space<hbm>> -> memref<79x128xi32, #tpu.memory_space<hbm>>
      %dma_wait3A_29 = arith.constant 0 : i32
      %dma_wait3A_30 = arith.constant 0 : i32
      %dma_wait3A_31 = tpu.memref_slice %arg3[%add3A, %dma_wait3A_29, %dma_wait3A_30] : memref<32x79x128xi32, #tpu.memory_space<hbm>> -> memref<1x79x128xi32, #tpu.memory_space<hbm>>
      %dma_wait3A_32 = tpu.memref_squeeze %dma_wait3A_31 : memref<1x79x128xi32, #tpu.memory_space<hbm>> -> memref<79x128xi32, #tpu.memory_space<hbm>>
      tpu.wait_dma2 semaphore(%run_scoped3A : memref<!tpu.dma_semaphore, #tpu.memory_space<semaphore_mem>>) src(%dma_wait3A_32 : memref<79x128xi32, #tpu.memory_space<hbm>>) dst(%arg7 : memref<79x128xi32, #tpu.memory_space<vmem>>)
      tpu.yield
    }) : () -> ()
    "tpu.region"() ({
      %run_scoped3A = tpu.sem_alloc : memref<!tpu.dma_semaphore, #tpu.memory_space<semaphore_mem>>
      %dma_start3A = arith.constant 0 : i32
      %dma_start3A_19 = arith.constant 0 : i32
      %dma_start3A_20 = tpu.memref_slice %arg4[%add3A, %dma_start3A, %dma_start3A_19] : memref<32x79x128xi32, #tpu.memory_space<hbm>> -> memref<1x79x128xi32, #tpu.memory_space<hbm>>
      %dma_start3A_21 = tpu.memref_squeeze %dma_start3A_20 : memref<1x79x128xi32, #tpu.memory_space<hbm>> -> memref<79x128xi32, #tpu.memory_space<hbm>>
      %dma_start3A_22 = arith.constant 0 : i32
      %dma_start3A_23 = arith.constant 0 : i32
      %dma_start3A_24 = tpu.memref_slice %arg4[%add3A, %dma_start3A_22, %dma_start3A_23] : memref<32x79x128xi32, #tpu.memory_space<hbm>> -> memref<1x79x128xi32, #tpu.memory_space<hbm>>
      %dma_start3A_25 = tpu.memref_squeeze %dma_start3A_24 : memref<1x79x128xi32, #tpu.memory_space<hbm>> -> memref<79x128xi32, #tpu.memory_space<hbm>>
      tpu.enqueue_dma source(%dma_start3A_25 : memref<79x128xi32, #tpu.memory_space<hbm>>) target(%arg8 : memref<79x128xi32, #tpu.memory_space<vmem>>) target_semaphore(%run_scoped3A : memref<!tpu.dma_semaphore, #tpu.memory_space<semaphore_mem>>)
      %dma_wait3A = arith.constant 0 : i32
      %dma_wait3A_26 = arith.constant 0 : i32
      %dma_wait3A_27 = tpu.memref_slice %arg4[%add3A, %dma_wait3A, %dma_wait3A_26] : memref<32x79x128xi32, #tpu.memory_space<hbm>> -> memref<1x79x128xi32, #tpu.memory_space<hbm>>
      %dma_wait3A_28 = tpu.memref_squeeze %dma_wait3A_27 : memref<1x79x128xi32, #tpu.memory_space<hbm>> -> memref<79x128xi32, #tpu.memory_space<hbm>>
      %dma_wait3A_29 = arith.constant 0 : i32
      %dma_wait3A_30 = arith.constant 0 : i32
      %dma_wait3A_31 = tpu.memref_slice %arg4[%add3A, %dma_wait3A_29, %dma_wait3A_30] : memref<32x79x128xi32, #tpu.memory_space<hbm>> -> memref<1x79x128xi32, #tpu.memory_space<hbm>>
      %dma_wait3A_32 = tpu.memref_squeeze %dma_wait3A_31 : memref<1x79x128xi32, #tpu.memory_space<hbm>> -> memref<79x128xi32, #tpu.memory_space<hbm>>
      tpu.wait_dma2 semaphore(%run_scoped3A : memref<!tpu.dma_semaphore, #tpu.memory_space<semaphore_mem>>) src(%dma_wait3A_32 : memref<79x128xi32, #tpu.memory_space<hbm>>) dst(%arg8 : memref<79x128xi32, #tpu.memory_space<vmem>>)
      tpu.yield
    }) : () -> ()
    "tpu.region"() ({
      %run_scoped3A = tpu.sem_alloc : memref<!tpu.dma_semaphore, #tpu.memory_space<semaphore_mem>>
      tpu.enqueue_dma source(%arg5 : memref<128x128xf32, #tpu.memory_space<hbm>>) target(%arg9 : memref<128x128xf32, #tpu.memory_space<vmem>>) target_semaphore(%run_scoped3A : memref<!tpu.dma_semaphore, #tpu.memory_space<semaphore_mem>>)
      tpu.wait_dma2 semaphore(%run_scoped3A : memref<!tpu.dma_semaphore, #tpu.memory_space<semaphore_mem>>) src(%arg5 : memref<128x128xf32, #tpu.memory_space<hbm>>) dst(%arg9 : memref<128x128xf32, #tpu.memory_space<vmem>>)
      tpu.yield
    }) : () -> ()
    %mul3A_1 = arith.constant 632 : i32
    %mul3A_2 = arith.muli %arg1, %mul3A_1 : i32
    %add3A_3 = arith.constant 0 : i32
    %add3A_4 = arith.addi %mul3A_2, %add3A_3 : i32
    "tpu.region"() ({
      %run_scoped3A = tpu.sem_alloc : memref<!tpu.dma_semaphore, #tpu.memory_space<semaphore_mem>>
      %dma_start3A = arith.constant 0 : i32
      %dma_start3A_19 = arith.constant 0 : i32
      %dma_start3A_20 = tpu.memref_slice %arg9[%dma_start3A, %dma_start3A_19] : memref<128x128xf32, #tpu.memory_space<vmem>> -> memref<128x128xf32, #tpu.memory_space<vmem>>
      %dma_start3A_21 = arith.constant 0 : i32
      %dma_start3A_22 = tpu.memref_slice %arg10[%add3A_4, %dma_start3A_21] : memref<10112x128xf32, #tpu.memory_space<vmem_shared>> -> memref<128x128xf32, #tpu.memory_space<vmem_shared>>
      %dma_start3A_23 = arith.constant 0 : i32
      %dma_start3A_24 = tpu.memref_slice %arg10[%add3A_4, %dma_start3A_23] : memref<10112x128xf32, #tpu.memory_space<vmem_shared>> -> memref<128x128xf32, #tpu.memory_space<vmem_shared>>
      %dma_start3A_25 = arith.constant 0 : i32
      %dma_start3A_26 = arith.constant 0 : i32
      %dma_start3A_27 = tpu.memref_slice %arg9[%dma_start3A_25, %dma_start3A_26] : memref<128x128xf32, #tpu.memory_space<vmem>> -> memref<128x128xf32, #tpu.memory_space<vmem>>
      tpu.enqueue_dma source(%dma_start3A_27 : memref<128x128xf32, #tpu.memory_space<vmem>>) target(%dma_start3A_24 : memref<128x128xf32, #tpu.memory_space<vmem_shared>>) target_semaphore(%run_scoped3A : memref<!tpu.dma_semaphore, #tpu.memory_space<semaphore_mem>>)
      %dma_wait3A = arith.constant 0 : i32
      %dma_wait3A_28 = arith.constant 0 : i32
      %dma_wait3A_29 = tpu.memref_slice %arg9[%dma_wait3A, %dma_wait3A_28] : memref<128x128xf32, #tpu.memory_space<vmem>> -> memref<128x128xf32, #tpu.memory_space<vmem>>
      %dma_wait3A_30 = arith.constant 0 : i32
      %dma_wait3A_31 = tpu.memref_slice %arg10[%add3A_4, %dma_wait3A_30] : memref<10112x128xf32, #tpu.memory_space<vmem_shared>> -> memref<128x128xf32, #tpu.memory_space<vmem_shared>>
      %dma_wait3A_32 = arith.constant 0 : i32
      %dma_wait3A_33 = tpu.memref_slice %arg10[%add3A_4, %dma_wait3A_32] : memref<10112x128xf32, #tpu.memory_space<vmem_shared>> -> memref<128x128xf32, #tpu.memory_space<vmem_shared>>
      %dma_wait3A_34 = arith.constant 0 : i32
      %dma_wait3A_35 = arith.constant 0 : i32
      %dma_wait3A_36 = tpu.memref_slice %arg9[%dma_wait3A_34, %dma_wait3A_35] : memref<128x128xf32, #tpu.memory_space<vmem>> -> memref<128x128xf32, #tpu.memory_space<vmem>>
      tpu.wait_dma2 semaphore(%run_scoped3A : memref<!tpu.dma_semaphore, #tpu.memory_space<semaphore_mem>>) src(%dma_wait3A_36 : memref<128x128xf32, #tpu.memory_space<vmem>>) dst(%dma_wait3A_33 : memref<128x128xf32, #tpu.memory_space<vmem_shared>>)
      tpu.yield
    }) : () -> ()
    %add3A_5 = arith.constant 128 : i32
    %add3A_6 = arith.addi %mul3A_2, %add3A_5 : i32
    "tpu.region"() ({
      %run_scoped3A = tpu.sem_alloc : memref<!tpu.dma_semaphore, #tpu.memory_space<semaphore_mem>>
      %dma_start3A = arith.constant 0 : i32
      %dma_start3A_19 = arith.constant 0 : i32
      %dma_start3A_20 = tpu.memref_slice %arg9[%dma_start3A, %dma_start3A_19] : memref<128x128xf32, #tpu.memory_space<vmem>> -> memref<128x128xf32, #tpu.memory_space<vmem>>
      %dma_start3A_21 = arith.constant 0 : i32
      %dma_start3A_22 = tpu.memref_slice %arg10[%add3A_6, %dma_start3A_21] : memref<10112x128xf32, #tpu.memory_space<vmem_shared>> -> memref<128x128xf32, #tpu.memory_space<vmem_shared>>
      %dma_start3A_23 = arith.constant 0 : i32
      %dma_start3A_24 = tpu.memref_slice %arg10[%add3A_6, %dma_start3A_23] : memref<10112x128xf32, #tpu.memory_space<vmem_shared>> -> memref<128x128xf32, #tpu.memory_space<vmem_shared>>
      %dma_start3A_25 = arith.constant 0 : i32
      %dma_start3A_26 = arith.constant 0 : i32
      %dma_start3A_27 = tpu.memref_slice %arg9[%dma_start3A_25, %dma_start3A_26] : memref<128x128xf32, #tpu.memory_space<vmem>> -> memref<128x128xf32, #tpu.memory_space<vmem>>
      tpu.enqueue_dma source(%dma_start3A_27 : memref<128x128xf32, #tpu.memory_space<vmem>>) target(%dma_start3A_24 : memref<128x128xf32, #tpu.memory_space<vmem_shared>>) target_semaphore(%run_scoped3A : memref<!tpu.dma_semaphore, #tpu.memory_space<semaphore_mem>>)
      %dma_wait3A = arith.constant 0 : i32
      %dma_wait3A_28 = arith.constant 0 : i32
      %dma_wait3A_29 = tpu.memref_slice %arg9[%dma_wait3A, %dma_wait3A_28] : memref<128x128xf32, #tpu.memory_space<vmem>> -> memref<128x128xf32, #tpu.memory_space<vmem>>
      %dma_wait3A_30 = arith.constant 0 : i32
      %dma_wait3A_31 = tpu.memref_slice %arg10[%add3A_6, %dma_wait3A_30] : memref<10112x128xf32, #tpu.memory_space<vmem_shared>> -> memref<128x128xf32, #tpu.memory_space<vmem_shared>>
      %dma_wait3A_32 = arith.constant 0 : i32
      %dma_wait3A_33 = tpu.memref_slice %arg10[%add3A_6, %dma_wait3A_32] : memref<10112x128xf32, #tpu.memory_space<vmem_shared>> -> memref<128x128xf32, #tpu.memory_space<vmem_shared>>
      %dma_wait3A_34 = arith.constant 0 : i32
      %dma_wait3A_35 = arith.constant 0 : i32
      %dma_wait3A_36 = tpu.memref_slice %arg9[%dma_wait3A_34, %dma_wait3A_35] : memref<128x128xf32, #tpu.memory_space<vmem>> -> memref<128x128xf32, #tpu.memory_space<vmem>>
      tpu.wait_dma2 semaphore(%run_scoped3A : memref<!tpu.dma_semaphore, #tpu.memory_space<semaphore_mem>>) src(%dma_wait3A_36 : memref<128x128xf32, #tpu.memory_space<vmem>>) dst(%dma_wait3A_33 : memref<128x128xf32, #tpu.memory_space<vmem_shared>>)
      tpu.yield
    }) : () -> ()
    %add3A_7 = arith.constant 256 : i32
    %add3A_8 = arith.addi %mul3A_2, %add3A_7 : i32
    "tpu.region"() ({
      %run_scoped3A = tpu.sem_alloc : memref<!tpu.dma_semaphore, #tpu.memory_space<semaphore_mem>>
      %dma_start3A = arith.constant 0 : i32
      %dma_start3A_19 = arith.constant 0 : i32
      %dma_start3A_20 = tpu.memref_slice %arg9[%dma_start3A, %dma_start3A_19] : memref<128x128xf32, #tpu.memory_space<vmem>> -> memref<128x128xf32, #tpu.memory_space<vmem>>
      %dma_start3A_21 = arith.constant 0 : i32
      %dma_start3A_22 = tpu.memref_slice %arg10[%add3A_8, %dma_start3A_21] : memref<10112x128xf32, #tpu.memory_space<vmem_shared>> -> memref<128x128xf32, #tpu.memory_space<vmem_shared>>
      %dma_start3A_23 = arith.constant 0 : i32
      %dma_start3A_24 = tpu.memref_slice %arg10[%add3A_8, %dma_start3A_23] : memref<10112x128xf32, #tpu.memory_space<vmem_shared>> -> memref<128x128xf32, #tpu.memory_space<vmem_shared>>
      %dma_start3A_25 = arith.constant 0 : i32
      %dma_start3A_26 = arith.constant 0 : i32
      %dma_start3A_27 = tpu.memref_slice %arg9[%dma_start3A_25, %dma_start3A_26] : memref<128x128xf32, #tpu.memory_space<vmem>> -> memref<128x128xf32, #tpu.memory_space<vmem>>
      tpu.enqueue_dma source(%dma_start3A_27 : memref<128x128xf32, #tpu.memory_space<vmem>>) target(%dma_start3A_24 : memref<128x128xf32, #tpu.memory_space<vmem_shared>>) target_semaphore(%run_scoped3A : memref<!tpu.dma_semaphore, #tpu.memory_space<semaphore_mem>>)
      %dma_wait3A = arith.constant 0 : i32
      %dma_wait3A_28 = arith.constant 0 : i32
      %dma_wait3A_29 = tpu.memref_slice %arg9[%dma_wait3A, %dma_wait3A_28] : memref<128x128xf32, #tpu.memory_space<vmem>> -> memref<128x128xf32, #tpu.memory_space<vmem>>
      %dma_wait3A_30 = arith.constant 0 : i32
      %dma_wait3A_31 = tpu.memref_slice %arg10[%add3A_8, %dma_wait3A_30] : memref<10112x128xf32, #tpu.memory_space<vmem_shared>> -> memref<128x128xf32, #tpu.memory_space<vmem_shared>>
      %dma_wait3A_32 = arith.constant 0 : i32
      %dma_wait3A_33 = tpu.memref_slice %arg10[%add3A_8, %dma_wait3A_32] : memref<10112x128xf32, #tpu.memory_space<vmem_shared>> -> memref<128x128xf32, #tpu.memory_space<vmem_shared>>
      %dma_wait3A_34 = arith.constant 0 : i32
      %dma_wait3A_35 = arith.constant 0 : i32
      %dma_wait3A_36 = tpu.memref_slice %arg9[%dma_wait3A_34, %dma_wait3A_35] : memref<128x128xf32, #tpu.memory_space<vmem>> -> memref<128x128xf32, #tpu.memory_space<vmem>>
      tpu.wait_dma2 semaphore(%run_scoped3A : memref<!tpu.dma_semaphore, #tpu.memory_space<semaphore_mem>>) src(%dma_wait3A_36 : memref<128x128xf32, #tpu.memory_space<vmem>>) dst(%dma_wait3A_33 : memref<128x128xf32, #tpu.memory_space<vmem_shared>>)
      tpu.yield
    }) : () -> ()
    %add3A_9 = arith.constant 384 : i32
    %add3A_10 = arith.addi %mul3A_2, %add3A_9 : i32
    "tpu.region"() ({
      %run_scoped3A = tpu.sem_alloc : memref<!tpu.dma_semaphore, #tpu.memory_space<semaphore_mem>>
      %dma_start3A = arith.constant 0 : i32
      %dma_start3A_19 = arith.constant 0 : i32
      %dma_start3A_20 = tpu.memref_slice %arg9[%dma_start3A, %dma_start3A_19] : memref<128x128xf32, #tpu.memory_space<vmem>> -> memref<128x128xf32, #tpu.memory_space<vmem>>
      %dma_start3A_21 = arith.constant 0 : i32
      %dma_start3A_22 = tpu.memref_slice %arg10[%add3A_10, %dma_start3A_21] : memref<10112x128xf32, #tpu.memory_space<vmem_shared>> -> memref<128x128xf32, #tpu.memory_space<vmem_shared>>
      %dma_start3A_23 = arith.constant 0 : i32
      %dma_start3A_24 = tpu.memref_slice %arg10[%add3A_10, %dma_start3A_23] : memref<10112x128xf32, #tpu.memory_space<vmem_shared>> -> memref<128x128xf32, #tpu.memory_space<vmem_shared>>
      %dma_start3A_25 = arith.constant 0 : i32
      %dma_start3A_26 = arith.constant 0 : i32
      %dma_start3A_27 = tpu.memref_slice %arg9[%dma_start3A_25, %dma_start3A_26] : memref<128x128xf32, #tpu.memory_space<vmem>> -> memref<128x128xf32, #tpu.memory_space<vmem>>
      tpu.enqueue_dma source(%dma_start3A_27 : memref<128x128xf32, #tpu.memory_space<vmem>>) target(%dma_start3A_24 : memref<128x128xf32, #tpu.memory_space<vmem_shared>>) target_semaphore(%run_scoped3A : memref<!tpu.dma_semaphore, #tpu.memory_space<semaphore_mem>>)
      %dma_wait3A = arith.constant 0 : i32
      %dma_wait3A_28 = arith.constant 0 : i32
      %dma_wait3A_29 = tpu.memref_slice %arg9[%dma_wait3A, %dma_wait3A_28] : memref<128x128xf32, #tpu.memory_space<vmem>> -> memref<128x128xf32, #tpu.memory_space<vmem>>
      %dma_wait3A_30 = arith.constant 0 : i32
      %dma_wait3A_31 = tpu.memref_slice %arg10[%add3A_10, %dma_wait3A_30] : memref<10112x128xf32, #tpu.memory_space<vmem_shared>> -> memref<128x128xf32, #tpu.memory_space<vmem_shared>>
      %dma_wait3A_32 = arith.constant 0 : i32
      %dma_wait3A_33 = tpu.memref_slice %arg10[%add3A_10, %dma_wait3A_32] : memref<10112x128xf32, #tpu.memory_space<vmem_shared>> -> memref<128x128xf32, #tpu.memory_space<vmem_shared>>
      %dma_wait3A_34 = arith.constant 0 : i32
      %dma_wait3A_35 = arith.constant 0 : i32
      %dma_wait3A_36 = tpu.memref_slice %arg9[%dma_wait3A_34, %dma_wait3A_35] : memref<128x128xf32, #tpu.memory_space<vmem>> -> memref<128x128xf32, #tpu.memory_space<vmem>>
      tpu.wait_dma2 semaphore(%run_scoped3A : memref<!tpu.dma_semaphore, #tpu.memory_space<semaphore_mem>>) src(%dma_wait3A_36 : memref<128x128xf32, #tpu.memory_space<vmem>>) dst(%dma_wait3A_33 : memref<128x128xf32, #tpu.memory_space<vmem_shared>>)
      tpu.yield
    }) : () -> ()
    %add3A_11 = arith.constant 512 : i32
    %add3A_12 = arith.addi %mul3A_2, %add3A_11 : i32
    "tpu.region"() ({
      %run_scoped3A = tpu.sem_alloc : memref<!tpu.dma_semaphore, #tpu.memory_space<semaphore_mem>>
      %dma_start3A = arith.constant 0 : i32
      %dma_start3A_19 = arith.constant 0 : i32
      %dma_start3A_20 = tpu.memref_slice %arg9[%dma_start3A, %dma_start3A_19] : memref<128x128xf32, #tpu.memory_space<vmem>> -> memref<120x128xf32, #tpu.memory_space<vmem>>
      %dma_start3A_21 = arith.constant 0 : i32
      %dma_start3A_22 = tpu.memref_slice %arg10[%add3A_12, %dma_start3A_21] : memref<10112x128xf32, #tpu.memory_space<vmem_shared>> -> memref<120x128xf32, #tpu.memory_space<vmem_shared>>
      %dma_start3A_23 = arith.constant 0 : i32
      %dma_start3A_24 = tpu.memref_slice %arg10[%add3A_12, %dma_start3A_23] : memref<10112x128xf32, #tpu.memory_space<vmem_shared>> -> memref<120x128xf32, #tpu.memory_space<vmem_shared>>
      %dma_start3A_25 = arith.constant 0 : i32
      %dma_start3A_26 = arith.constant 0 : i32
      %dma_start3A_27 = tpu.memref_slice %arg9[%dma_start3A_25, %dma_start3A_26] : memref<128x128xf32, #tpu.memory_space<vmem>> -> memref<120x128xf32, #tpu.memory_space<vmem>>
      tpu.enqueue_dma source(%dma_start3A_27 : memref<120x128xf32, #tpu.memory_space<vmem>>) target(%dma_start3A_24 : memref<120x128xf32, #tpu.memory_space<vmem_shared>>) target_semaphore(%run_scoped3A : memref<!tpu.dma_semaphore, #tpu.memory_space<semaphore_mem>>)
      %dma_wait3A = arith.constant 0 : i32
      %dma_wait3A_28 = arith.constant 0 : i32
      %dma_wait3A_29 = tpu.memref_slice %arg9[%dma_wait3A, %dma_wait3A_28] : memref<128x128xf32, #tpu.memory_space<vmem>> -> memref<120x128xf32, #tpu.memory_space<vmem>>
      %dma_wait3A_30 = arith.constant 0 : i32
      %dma_wait3A_31 = tpu.memref_slice %arg10[%add3A_12, %dma_wait3A_30] : memref<10112x128xf32, #tpu.memory_space<vmem_shared>> -> memref<120x128xf32, #tpu.memory_space<vmem_shared>>
      %dma_wait3A_32 = arith.constant 0 : i32
      %dma_wait3A_33 = tpu.memref_slice %arg10[%add3A_12, %dma_wait3A_32] : memref<10112x128xf32, #tpu.memory_space<vmem_shared>> -> memref<120x128xf32, #tpu.memory_space<vmem_shared>>
      %dma_wait3A_34 = arith.constant 0 : i32
      %dma_wait3A_35 = arith.constant 0 : i32
      %dma_wait3A_36 = tpu.memref_slice %arg9[%dma_wait3A_34, %dma_wait3A_35] : memref<128x128xf32, #tpu.memory_space<vmem>> -> memref<120x128xf32, #tpu.memory_space<vmem>>
      tpu.wait_dma2 semaphore(%run_scoped3A : memref<!tpu.dma_semaphore, #tpu.memory_space<semaphore_mem>>) src(%dma_wait3A_36 : memref<120x128xf32, #tpu.memory_space<vmem>>) dst(%dma_wait3A_33 : memref<120x128xf32, #tpu.memory_space<vmem_shared>>)
      tpu.yield
    }) : () -> ()
    %barrier3A = arith.constant 0 : index
    tpu.barrier barrier_id(%barrier3A)
    %scan3A = arith.constant 0 : i32
    %scan3A_13 = arith.constant 0 : i32
    %scan3A_14 = arith.constant 79 : i32
    %scan3A_15 = arith.addi %scan3A_13, %scan3A_14 : i32
    %scan3A_16 = arith.constant 1 : i32
    scf.for %scan3A_19 = %scan3A_13 to %scan3A_15 step %scan3A_16  : i32 {
      %dma_start3A = arith.constant 0 : i32
      %dma_start3A_20 = tpu.memref_slice %arg7[%scan3A_19, %dma_start3A] : memref<79x128xi32, #tpu.memory_space<vmem>> -> memref<1x128xi32, #tpu.memory_space<vmem>>
      %dma_start3A_21 = tpu.memref_squeeze %dma_start3A_20 : memref<1x128xi32, #tpu.memory_space<vmem>> -> memref<128xi32, #tpu.memory_space<vmem>>
      %dma_start3A_22 = arith.constant 0 : i32
      %dma_start3A_23 = arith.constant 0 : i32
      %dma_start3A_24 = tpu.memref_slice %arg2[%dma_start3A_22, %dma_start3A_23] : memref<10000x128xf32, #tpu.memory_space<hbm>> -> memref<10000x128xf32, #tpu.memory_space<hbm>>
      tpu.enqueue_indirect_dma source(%dma_start3A_24 : memref<10000x128xf32, #tpu.memory_space<hbm>>) target(%arg9 : memref<128x128xf32, #tpu.memory_space<vmem>>) offsets(%dma_start3A_21 : memref<128xi32, #tpu.memory_space<vmem>>) semaphore(%arg11 : memref<!tpu.dma_semaphore, #tpu.memory_space<semaphore_mem>>)
      %dma_wait3A = arith.constant 0 : i32
      %dma_wait3A_25 = tpu.memref_slice %arg7[%scan3A_19, %dma_wait3A] : memref<79x128xi32, #tpu.memory_space<vmem>> -> memref<1x128xi32, #tpu.memory_space<vmem>>
      %dma_wait3A_26 = tpu.memref_squeeze %dma_wait3A_25 : memref<1x128xi32, #tpu.memory_space<vmem>> -> memref<128xi32, #tpu.memory_space<vmem>>
      %dma_wait3A_27 = arith.constant 0 : i32
      %dma_wait3A_28 = arith.constant 0 : i32
      %dma_wait3A_29 = tpu.memref_slice %arg2[%dma_wait3A_27, %dma_wait3A_28] : memref<10000x128xf32, #tpu.memory_space<hbm>> -> memref<10000x128xf32, #tpu.memory_space<hbm>>
      tpu.wait_indirect_dma semaphore(%arg11 : memref<!tpu.dma_semaphore, #tpu.memory_space<semaphore_mem>>) src(%dma_wait3A_29 : memref<10000x128xf32, #tpu.memory_space<hbm>>) dst(%arg9 : memref<128x128xf32, #tpu.memory_space<vmem>>)
      "tpu.region"() ({
        %run_scoped3A = tpu.sem_alloc : memref<!tpu.dma_semaphore, #tpu.memory_space<semaphore_mem>>
        %dma_start3A_30 = arith.constant 0 : i32
        %dma_start3A_31 = tpu.memref_slice %arg8[%scan3A_19, %dma_start3A_30] : memref<79x128xi32, #tpu.memory_space<vmem>> -> memref<1x128xi32, #tpu.memory_space<vmem>>
        %dma_start3A_32 = tpu.memref_squeeze %dma_start3A_31 : memref<1x128xi32, #tpu.memory_space<vmem>> -> memref<128xi32, #tpu.memory_space<vmem>>
        %dma_start3A_33 = arith.constant 0 : i32
        %dma_start3A_34 = arith.constant 0 : i32
        %dma_start3A_35 = tpu.memref_slice %arg10[%dma_start3A_33, %dma_start3A_34] : memref<10112x128xf32, #tpu.memory_space<vmem_shared>> -> memref<10112x128xf32, #tpu.memory_space<vmem_shared>>
        tpu.enqueue_indirect_dma source(%arg9 : memref<128x128xf32, #tpu.memory_space<vmem>>) target(%dma_start3A_35 : memref<10112x128xf32, #tpu.memory_space<vmem_shared>>) offsets(%dma_start3A_32 : memref<128xi32, #tpu.memory_space<vmem>>) semaphore(%run_scoped3A : memref<!tpu.dma_semaphore, #tpu.memory_space<semaphore_mem>>) {add = true}
        %dma_wait3A_36 = arith.constant 0 : i32
        %dma_wait3A_37 = tpu.memref_slice %arg8[%scan3A_19, %dma_wait3A_36] : memref<79x128xi32, #tpu.memory_space<vmem>> -> memref<1x128xi32, #tpu.memory_space<vmem>>
        %dma_wait3A_38 = tpu.memref_squeeze %dma_wait3A_37 : memref<1x128xi32, #tpu.memory_space<vmem>> -> memref<128xi32, #tpu.memory_space<vmem>>
        %dma_wait3A_39 = arith.constant 0 : i32
        %dma_wait3A_40 = arith.constant 0 : i32
        %dma_wait3A_41 = tpu.memref_slice %arg10[%dma_wait3A_39, %dma_wait3A_40] : memref<10112x128xf32, #tpu.memory_space<vmem_shared>> -> memref<10112x128xf32, #tpu.memory_space<vmem_shared>>
        tpu.wait_indirect_dma semaphore(%run_scoped3A : memref<!tpu.dma_semaphore, #tpu.memory_space<semaphore_mem>>) src(%arg9 : memref<128x128xf32, #tpu.memory_space<vmem>>) dst(%dma_wait3A_41 : memref<10112x128xf32, #tpu.memory_space<vmem_shared>>)
        tpu.yield
      }) : () -> ()
    }
    %scan3A_17 = arith.constant 79 : i32
    %barrier3A_18 = arith.constant 0 : index
    tpu.barrier barrier_id(%barrier3A_18)
    "tpu.region"() ({
      %run_scoped3A = tpu.sem_alloc : memref<!tpu.dma_semaphore, #tpu.memory_space<semaphore_mem>>
      %dma_start3A = arith.constant 0 : i32
      %dma_start3A_19 = tpu.memref_slice %arg6[%arg0, %mul3A_2, %dma_start3A] : memref<2x10112x128xf32, #tpu.memory_space<hbm>> -> memref<1x632x128xf32, #tpu.memory_space<hbm>>
      %dma_start3A_20 = tpu.memref_squeeze %dma_start3A_19 : memref<1x632x128xf32, #tpu.memory_space<hbm>> -> memref<632x128xf32, #tpu.memory_space<hbm>>
      %dma_start3A_21 = arith.constant 0 : i32
      %dma_start3A_22 = tpu.memref_slice %arg10[%mul3A_2, %dma_start3A_21] : memref<10112x128xf32, #tpu.memory_space<vmem_shared>> -> memref<632x128xf32, #tpu.memory_space<vmem_shared>>
      tpu.enqueue_dma source(%dma_start3A_22 : memref<632x128xf32, #tpu.memory_space<vmem_shared>>) target(%dma_start3A_20 : memref<632x128xf32, #tpu.memory_space<hbm>>) target_semaphore(%run_scoped3A : memref<!tpu.dma_semaphore, #tpu.memory_space<semaphore_mem>>)
      %dma_wait3A = arith.constant 0 : i32
      %dma_wait3A_23 = tpu.memref_slice %arg6[%arg0, %mul3A_2, %dma_wait3A] : memref<2x10112x128xf32, #tpu.memory_space<hbm>> -> memref<1x632x128xf32, #tpu.memory_space<hbm>>
      %dma_wait3A_24 = tpu.memref_squeeze %dma_wait3A_23 : memref<1x632x128xf32, #tpu.memory_space<hbm>> -> memref<632x128xf32, #tpu.memory_space<hbm>>
      %dma_wait3A_25 = arith.constant 0 : i32
      %dma_wait3A_26 = tpu.memref_slice %arg10[%mul3A_2, %dma_wait3A_25] : memref<10112x128xf32, #tpu.memory_space<vmem_shared>> -> memref<632x128xf32, #tpu.memory_space<vmem_shared>>
      tpu.wait_dma2 semaphore(%run_scoped3A : memref<!tpu.dma_semaphore, #tpu.memory_space<semaphore_mem>>) src(%dma_wait3A_26 : memref<632x128xf32, #tpu.memory_space<vmem_shared>>) dst(%dma_wait3A_24 : memref<632x128xf32, #tpu.memory_space<hbm>>)
      tpu.yield
    }) : () -> ()
    return
  }
}

module attributes {stable_mosaic.version = 14 : i64} {
  func.func @_tc_matmul_body(%arg0: memref<10000x128xf32, #tpu.memory_space<vmem>>, %arg1: memref<128x128xf32, #tpu.memory_space<vmem>>, %arg2: memref<10000x128xf32, #tpu.memory_space<vmem>>) attributes {dimension_semantics = [], scalar_prefetch = 0 : i64, scratch_operands = 0 : i64, tpu.core_type = #tpu.core_type<tc>} {
    %get3A = arith.constant 0 : index
    %get3A_0 = arith.constant 0 : index
    %get3A_1 = vector.load %arg0[%get3A, %get3A_0] : memref<10000x128xf32, #tpu.memory_space<vmem>>, vector<10000x128xf32>
    %get3A_2 = arith.constant 0 : index
    %get3A_3 = arith.constant 0 : index
    %get3A_4 = vector.load %arg1[%get3A_2, %get3A_3] : memref<128x128xf32, #tpu.memory_space<vmem>>, vector<128x128xf32>
    %dot_general3A = arith.constant dense<0.000000e+00> : vector<10000x128xf32>
    %dot_general3A_5 = tpu.matmul %get3A_1, %get3A_4, %dot_general3A {dimension_numbers = #tpu.dot_dimension_numbers<[1], [0], [0], [1], [0, 0, 1, 1], [], []>, transpose_lhs_hint = false} : vector<10000x128xf32>, vector<128x128xf32>, vector<10000x128xf32> -> vector<10000x128xf32>
    %swap3A = arith.constant 0 : index
    %swap3A_6 = arith.constant 0 : index
    %swap3A_7 = vector.load %arg2[%swap3A, %swap3A_6] : memref<10000x128xf32, #tpu.memory_space<vmem>>, vector<10000x128xf32>
    tpu.vector_store %arg2[%swap3A, %swap3A_6], %dot_general3A_5 {strides = array<i32>} : memref<10000x128xf32, #tpu.memory_space<vmem>>, vector<10000x128xf32>,
    return
  }
}

module attributes {stable_mosaic.version = 14 : i64} {
  func.func @_tc_scale_body(%arg0: memref<2x10112x16xf32, #tpu.memory_space<vmem>>, %arg1: memref<10000x128xf32, #tpu.memory_space<vmem>>, %arg2: memref<10000x128xf32, #tpu.memory_space<vmem>>) attributes {dimension_semantics = [], scalar_prefetch = 0 : i64, scratch_operands = 0 : i64, tpu.core_type = #tpu.core_type<tc>} {
    %get3A = arith.constant 0 : index
    %get3A_0 = arith.constant 0 : index
    %get3A_1 = vector.load %arg1[%get3A, %get3A_0] : memref<10000x128xf32, #tpu.memory_space<vmem>>, vector<10000x128xf32>
    %get3A_2 = arith.constant 0 : index
    %get3A_3 = arith.constant 0 : index
    %get3A_4 = arith.constant 0 : index
    %get3A_5 = vector.load %arg0[%get3A_2, %get3A_3, %get3A_4] : memref<2x10112x16xf32, #tpu.memory_space<vmem>>, vector<2x10112x16xf32>
    %slice3A = vector.extract_strided_slice %get3A_5 {offsets = [0, 0, 0], sizes = [1, 10000, 1], strides = [1, 1, 1]} : vector<2x10112x16xf32> to vector<1x10000x1xf32>
    %squeeze3A = vector.shape_cast %slice3A : vector<1x10000x1xf32> to vector<10000x1xf32>
    %slice3A_6 = vector.extract_strided_slice %get3A_5 {offsets = [1, 0, 0], sizes = [1, 10000, 1], strides = [1, 1, 1]} : vector<2x10112x16xf32> to vector<1x10000x1xf32>
    %squeeze3A_7 = vector.shape_cast %slice3A_6 : vector<1x10000x1xf32> to vector<10000x1xf32>
    %add3A = arith.addf %squeeze3A, %squeeze3A_7 : vector<10000x1xf32>
    %add3A_8 = arith.constant 1.000000e+00 : f32
    %add3A_9 = vector.broadcast %add3A_8 : f32 to vector<10000x1xf32>
    %add3A_10 = arith.addf %add3A, %add3A_9 : vector<10000x1xf32>
    %rsqrt3A = math.rsqrt %add3A_10 : vector<10000x1xf32>
    %mul3A = vector.broadcast %rsqrt3A : vector<10000x1xf32> to vector<10000x128xf32>
    %mul3A_11 = arith.mulf %get3A_1, %mul3A : vector<10000x128xf32>
    %swap3A = arith.constant 0 : index
    %swap3A_12 = arith.constant 0 : index
    %swap3A_13 = vector.load %arg2[%swap3A, %swap3A_12] : memref<10000x128xf32, #tpu.memory_space<vmem>>, vector<10000x128xf32>
    tpu.vector_store %arg2[%swap3A, %swap3A_12], %mul3A_11 {strides = array<i32>} : memref<10000x128xf32, #tpu.memory_space<vmem>>, vector<10000x128xf32>,
    return
  }
}

module attributes {stable_mosaic.version = 14 : i64} {
  func.func @_tc_mid_body(%arg0: memref<2x10112x16xf32, #tpu.memory_space<vmem>>, %arg1: memref<2x10112x128xf32, #tpu.memory_space<vmem>>, %arg2: memref<10000x128xf32, #tpu.memory_space<vmem>>, %arg3: memref<1x128xf32, #tpu.memory_space<vmem>>, %arg4: memref<1x128xf32, #tpu.memory_space<vmem>>, %arg5: memref<1x128xf32, #tpu.memory_space<vmem>>, %arg6: memref<128x128xf32, #tpu.memory_space<vmem>>, %arg7: memref<10000x128xf32, #tpu.memory_space<vmem>>) attributes {dimension_semantics = [], scalar_prefetch = 0 : i64, scratch_operands = 0 : i64, tpu.core_type = #tpu.core_type<tc>} {
    %get3A = arith.constant 0 : index
    %get3A_0 = arith.constant 0 : index
    %get3A_1 = arith.constant 0 : index
    %get3A_2 = vector.load %arg0[%get3A, %get3A_0, %get3A_1] : memref<2x10112x16xf32, #tpu.memory_space<vmem>>, vector<2x10112x16xf32>
    %slice3A = vector.extract_strided_slice %get3A_2 {offsets = [0, 0, 0], sizes = [1, 10000, 1], strides = [1, 1, 1]} : vector<2x10112x16xf32> to vector<1x10000x1xf32>
    %squeeze3A = vector.shape_cast %slice3A : vector<1x10000x1xf32> to vector<10000x1xf32>
    %slice3A_3 = vector.extract_strided_slice %get3A_2 {offsets = [1, 0, 0], sizes = [1, 10000, 1], strides = [1, 1, 1]} : vector<2x10112x16xf32> to vector<1x10000x1xf32>
    %squeeze3A_4 = vector.shape_cast %slice3A_3 : vector<1x10000x1xf32> to vector<10000x1xf32>
    %add3A = arith.addf %squeeze3A, %squeeze3A_4 : vector<10000x1xf32>
    %add3A_5 = arith.constant 1.000000e+00 : f32
    %add3A_6 = vector.broadcast %add3A_5 : f32 to vector<10000x1xf32>
    %add3A_7 = arith.addf %add3A, %add3A_6 : vector<10000x1xf32>
    %rsqrt3A = math.rsqrt %add3A_7 : vector<10000x1xf32>
    %get3A_8 = arith.constant 0 : index
    %get3A_9 = arith.constant 0 : index
    %get3A_10 = arith.constant 0 : index
    %get3A_11 = vector.load %arg1[%get3A_8, %get3A_9, %get3A_10] : memref<2x10112x128xf32, #tpu.memory_space<vmem>>, vector<2x10112x128xf32>
    %slice3A_12 = vector.extract_strided_slice %get3A_11 {offsets = [0, 0, 0], sizes = [1, 10000, 128], strides = [1, 1, 1]} : vector<2x10112x128xf32> to vector<1x10000x128xf32>
    %squeeze3A_13 = vector.shape_cast %slice3A_12 : vector<1x10000x128xf32> to vector<10000x128xf32>
    %slice3A_14 = vector.extract_strided_slice %get3A_11 {offsets = [1, 0, 0], sizes = [1, 10000, 128], strides = [1, 1, 1]} : vector<2x10112x128xf32> to vector<1x10000x128xf32>
    %squeeze3A_15 = vector.shape_cast %slice3A_14 : vector<1x10000x128xf32> to vector<10000x128xf32>
    %add3A_16 = arith.addf %squeeze3A_13, %squeeze3A_15 : vector<10000x128xf32>
    %get3A_17 = arith.constant 0 : index
    %get3A_18 = arith.constant 0 : index
    %get3A_19 = vector.load %arg2[%get3A_17, %get3A_18] : memref<10000x128xf32, #tpu.memory_space<vmem>>, vector<10000x128xf32>
    %add3A_20 = arith.addf %add3A_16, %get3A_19 : vector<10000x128xf32>
    %mul3A = vector.broadcast %rsqrt3A : vector<10000x1xf32> to vector<10000x128xf32>
    %mul3A_21 = arith.mulf %mul3A, %add3A_20 : vector<10000x128xf32>
    %get3A_22 = arith.constant 0 : index
    %get3A_23 = arith.constant 0 : index
    %get3A_24 = vector.load %arg3[%get3A_22, %get3A_23] : memref<1x128xf32, #tpu.memory_space<vmem>>, vector<1x128xf32>
    %add3A_25 = vector.broadcast %get3A_24 : vector<1x128xf32> to vector<10000x128xf32>
    %add3A_26 = arith.addf %mul3A_21, %add3A_25 : vector<10000x128xf32>
    %reduce_sum3A = arith.constant dense<0.000000e+00> : vector<128xf32>
    %reduce_sum3A_27 = vector.multi_reduction <add>, %add3A_26, %reduce_sum3A [0] : vector<10000x128xf32> to vector<128xf32>
    %broadcast_in_dim3A = vector.shape_cast %reduce_sum3A_27 : vector<128xf32> to vector<1x128xf32>
    %div3A = arith.constant 1.000000e+04 : f32
    %div3A_28 = vector.broadcast %div3A : f32 to vector<1x128xf32>
    %div3A_29 = arith.divf %broadcast_in_dim3A, %div3A_28 : vector<1x128xf32>
    %sub3A = vector.broadcast %div3A_29 : vector<1x128xf32> to vector<10000x128xf32>
    %sub3A_30 = arith.subf %add3A_26, %sub3A : vector<10000x128xf32>
    %mul3A_31 = arith.mulf %sub3A_30, %sub3A_30 : vector<10000x128xf32>
    %reduce_sum3A_32 = arith.constant dense<0.000000e+00> : vector<128xf32>
    %reduce_sum3A_33 = vector.multi_reduction <add>, %mul3A_31, %reduce_sum3A_32 [0] : vector<10000x128xf32> to vector<128xf32>
    %broadcast_in_dim3A_34 = vector.shape_cast %reduce_sum3A_33 : vector<128xf32> to vector<1x128xf32>
    %div3A_35 = arith.constant 1.000000e+04 : f32
    %div3A_36 = vector.broadcast %div3A_35 : f32 to vector<1x128xf32>
    %div3A_37 = arith.divf %broadcast_in_dim3A_34, %div3A_36 : vector<1x128xf32>
    %get3A_38 = arith.constant 0 : index
    %get3A_39 = arith.constant 0 : index
    %get3A_40 = vector.load %arg4[%get3A_38, %get3A_39] : memref<1x128xf32, #tpu.memory_space<vmem>>, vector<1x128xf32>
    %mul3A_41 = vector.broadcast %get3A_40 : vector<1x128xf32> to vector<10000x128xf32>
    %mul3A_42 = arith.mulf %mul3A_41, %sub3A_30 : vector<10000x128xf32>
    %add3A_43 = arith.constant 9.99999974E-6 : f32
    %add3A_44 = vector.broadcast %add3A_43 : f32 to vector<1x128xf32>
    %add3A_45 = arith.addf %div3A_37, %add3A_44 : vector<1x128xf32>
    %rsqrt3A_46 = math.rsqrt %add3A_45 : vector<1x128xf32>
    %mul3A_47 = vector.broadcast %rsqrt3A_46 : vector<1x128xf32> to vector<10000x128xf32>
    %mul3A_48 = arith.mulf %mul3A_42, %mul3A_47 : vector<10000x128xf32>
    %get3A_49 = arith.constant 0 : index
    %get3A_50 = arith.constant 0 : index
    %get3A_51 = vector.load %arg5[%get3A_49, %get3A_50] : memref<1x128xf32, #tpu.memory_space<vmem>>, vector<1x128xf32>
    %add3A_52 = vector.broadcast %get3A_51 : vector<1x128xf32> to vector<10000x128xf32>
    %add3A_53 = arith.addf %mul3A_48, %add3A_52 : vector<10000x128xf32>
    %max3A = arith.constant 0.000000e+00 : f32
    %max3A_54 = vector.broadcast %max3A : f32 to vector<10000x128xf32>
    %max3A_55 = arith.maximumf %add3A_53, %max3A_54 : vector<10000x128xf32>
    %get3A_56 = arith.constant 0 : index
    %get3A_57 = arith.constant 0 : index
    %get3A_58 = vector.load %arg6[%get3A_56, %get3A_57] : memref<128x128xf32, #tpu.memory_space<vmem>>, vector<128x128xf32>
    %dot_general3A = arith.constant dense<0.000000e+00> : vector<10000x128xf32>
    %dot_general3A_59 = tpu.matmul %max3A_55, %get3A_58, %dot_general3A {dimension_numbers = #tpu.dot_dimension_numbers<[1], [0], [0], [1], [0, 0, 1, 1], [], []>, transpose_lhs_hint = false} : vector<10000x128xf32>, vector<128x128xf32>, vector<10000x128xf32> -> vector<10000x128xf32>
    %mul3A_60 = vector.broadcast %rsqrt3A : vector<10000x1xf32> to vector<10000x128xf32>
    %mul3A_61 = arith.mulf %dot_general3A_59, %mul3A_60 : vector<10000x128xf32>
    %swap3A = arith.constant 0 : index
    %swap3A_62 = arith.constant 0 : index
    %swap3A_63 = vector.load %arg7[%swap3A, %swap3A_62] : memref<10000x128xf32, #tpu.memory_space<vmem>>, vector<10000x128xf32>
    tpu.vector_store %arg7[%swap3A, %swap3A_62], %mul3A_61 {strides = array<i32>} : memref<10000x128xf32, #tpu.memory_space<vmem>>, vector<10000x128xf32>,
    return
  }
}

module attributes {stable_mosaic.version = 14 : i64} {
  func.func @_tc_final_body(%arg0: memref<2x10112x16xf32, #tpu.memory_space<vmem>>, %arg1: memref<2x10112x128xf32, #tpu.memory_space<vmem>>, %arg2: memref<10000x128xf32, #tpu.memory_space<vmem>>, %arg3: memref<1x128xf32, #tpu.memory_space<vmem>>, %arg4: memref<10000x128xf32, #tpu.memory_space<vmem>>) attributes {dimension_semantics = [], scalar_prefetch = 0 : i64, scratch_operands = 0 : i64, tpu.core_type = #tpu.core_type<tc>} {
    %get3A = arith.constant 0 : index
    %get3A_0 = arith.constant 0 : index
    %get3A_1 = arith.constant 0 : index
    %get3A_2 = vector.load %arg0[%get3A, %get3A_0, %get3A_1] : memref<2x10112x16xf32, #tpu.memory_space<vmem>>, vector<2x10112x16xf32>
    %slice3A = vector.extract_strided_slice %get3A_2 {offsets = [0, 0, 0], sizes = [1, 10000, 1], strides = [1, 1, 1]} : vector<2x10112x16xf32> to vector<1x10000x1xf32>
    %squeeze3A = vector.shape_cast %slice3A : vector<1x10000x1xf32> to vector<10000x1xf32>
    %slice3A_3 = vector.extract_strided_slice %get3A_2 {offsets = [1, 0, 0], sizes = [1, 10000, 1], strides = [1, 1, 1]} : vector<2x10112x16xf32> to vector<1x10000x1xf32>
    %squeeze3A_4 = vector.shape_cast %slice3A_3 : vector<1x10000x1xf32> to vector<10000x1xf32>
    %add3A = arith.addf %squeeze3A, %squeeze3A_4 : vector<10000x1xf32>
    %add3A_5 = arith.constant 1.000000e+00 : f32
    %add3A_6 = vector.broadcast %add3A_5 : f32 to vector<10000x1xf32>
    %add3A_7 = arith.addf %add3A, %add3A_6 : vector<10000x1xf32>
    %rsqrt3A = math.rsqrt %add3A_7 : vector<10000x1xf32>
    %get3A_8 = arith.constant 0 : index
    %get3A_9 = arith.constant 0 : index
    %get3A_10 = arith.constant 0 : index
    %get3A_11 = vector.load %arg1[%get3A_8, %get3A_9, %get3A_10] : memref<2x10112x128xf32, #tpu.memory_space<vmem>>, vector<2x10112x128xf32>
    %slice3A_12 = vector.extract_strided_slice %get3A_11 {offsets = [0, 0, 0], sizes = [1, 10000, 128], strides = [1, 1, 1]} : vector<2x10112x128xf32> to vector<1x10000x128xf32>
    %squeeze3A_13 = vector.shape_cast %slice3A_12 : vector<1x10000x128xf32> to vector<10000x128xf32>
    %slice3A_14 = vector.extract_strided_slice %get3A_11 {offsets = [1, 0, 0], sizes = [1, 10000, 128], strides = [1, 1, 1]} : vector<2x10112x128xf32> to vector<1x10000x128xf32>
    %squeeze3A_15 = vector.shape_cast %slice3A_14 : vector<1x10000x128xf32> to vector<10000x128xf32>
    %add3A_16 = arith.addf %squeeze3A_13, %squeeze3A_15 : vector<10000x128xf32>
    %get3A_17 = arith.constant 0 : index
    %get3A_18 = arith.constant 0 : index
    %get3A_19 = vector.load %arg2[%get3A_17, %get3A_18] : memref<10000x128xf32, #tpu.memory_space<vmem>>, vector<10000x128xf32>
    %add3A_20 = arith.addf %add3A_16, %get3A_19 : vector<10000x128xf32>
    %mul3A = vector.broadcast %rsqrt3A : vector<10000x1xf32> to vector<10000x128xf32>
    %mul3A_21 = arith.mulf %mul3A, %add3A_20 : vector<10000x128xf32>
    %get3A_22 = arith.constant 0 : index
    %get3A_23 = arith.constant 0 : index
    %get3A_24 = vector.load %arg3[%get3A_22, %get3A_23] : memref<1x128xf32, #tpu.memory_space<vmem>>, vector<1x128xf32>
    %add3A_25 = vector.broadcast %get3A_24 : vector<1x128xf32> to vector<10000x128xf32>
    %add3A_26 = arith.addf %mul3A_21, %add3A_25 : vector<10000x128xf32>
    %swap3A = arith.constant 0 : index
    %swap3A_27 = arith.constant 0 : index
    %swap3A_28 = vector.load %arg4[%swap3A, %swap3A_27] : memref<10000x128xf32, #tpu.memory_space<vmem>>, vector<10000x128xf32>
    tpu.vector_store %arg4[%swap3A, %swap3A_27], %add3A_26 {strides = array<i32>} : memref<10000x128xf32, #tpu.memory_space<vmem>>, vector<10000x128xf32>,
    return
  }
}

</mosaic_0001>

<sc_bundles>
// kernel: kernel.11.cloned.1.call-start
scs
__scs_entry_jumppad:
0x0: {  	(pc) =	sbr.rel $0x88, $3  }
0x1: {  	(tag) =	ssettag $0x0;
	lr =	simm.s32 $0x1  }
0x2: {  	[smem:$0x3F95] =	sst lr;
	_ =	strace $0xD0000000  }
0x3: {  	_ = 	snop  }
0x4: {  	_ = 	snop  }
0x5: {  	_ = 	snop  }
0x6: {  	_ = 	snop  }
0x7: {  	_ = 	snop  }
__scs_overlays_trampoline_lowered:
0x8: {  	[smem:$0x3FA4] =	sst s0  }
0x9: {  	[smem:$0x3FA5] =	sst s1  }
0xa: {  	[smem:$0x3FA6] =	sst s2  }
0xb: {  	[smem:$0x3FA7] =	sst s3  }
0xc: {  	[smem:$0x3FA8] =	sst s4  }
0xd: {  	[smem:$0x3FA9] =	sst s5  }
0xe: {  	[smem:$0x3FAA] =	sst s6  }
0xf: {  	[smem:$0x3FAB] =	sst s7  }
0x10: {  	[smem:$0x3FAC] =	sst s8  }
0x11: {  	[smem:$0x3FAD] =	sst s9;
	s0 =	simm.s32 @!p0 $0x0  }
0x12: {  	s1 =	sld [smem:$0x3F93];
	s0 =	simm.s32 @p0 $0x1  }
0x13: {  	[smem:$0x3FAE] =	sst s0;
	s0 =	simm.s32 @!p1 $0x0  }
0x14: {  	s2 =	sld [smem:$0x3F92];
	s0 =	simm.s32 @p1 $0x1  }
0x15: {  	[smem:$0x3FAF] =	sst s0;
	s0 =	simm.s32 @!p2 $0x0  }
0x16: {  	s3 =	sld [smem:$0x3FDB];
	s0 =	simm.s32 @p2 $0x1  }
0x17: {  	s4 =	simm.s32 $0x1BF5;
	[smem:$0x3FB1] =	sst s0  }
0x18: {  	s0 =	sld [smem:$0x3F94];
	_ =	swait.ge [sflag:s4], $0x0  }
0x19: {  	s7 =	sld [smem:$0x3F95]  }
0x1a: {  	s8 =	sadd.s32 $0xFFFFE003, lr  }
0x1b: {  	s9 =	sadd.s32 $0xFFFFFEF7, lr;
	s5 =	simm.s32 $0xFFFFFFFF;
	p2 =	slt.u32 s8, $0xFFFFF086  }
0x1c: {  	p1 =	slt.u32 s9, $0xF7A;
	s5 =	simm.s32 @!p2 $0x0  }
0x1d: {  	s5 =	simm.s32 @p1 $0x1;
	p0 =	seq.s32 s7, s2  }
0x1e: {  	s7 =	smul.u32 @!p0 $0xF7A, s2;
	p2 =	seq.s32 @!p0 s5, $0x0  }
0x1f: {  	s9 =	smul.u32 $0xF7A, s1;
	s8 =	simm.s32 @!p0 $0x1BF5;
	p2 =	por !p2, p0  }
0x20: {  	[sflag:s8] =	ssyncset.s32 @!p0 $0xFFFFF086;
	s6 =	sadd.s32 @!p0 s3, s7;
	s7 =	simm.s32 @!p0 $0x108  }
0x21: {  	s3 =	sadd.s32 s3, s9;
	s6 =	sadd.s32 @!p0 $0x88, s6;
	s7 =	simm.s32 @p2 $0x1082  }
0x22: {  	[simem:s7], [sflag:s8] =	dma.local @!p0 [hbm:s6], $0xF7A  }
0x23: {  	s9 =	sor.u32 $0xD0000000, s2;
	s6 =	simm.s32 $0x108;
	_ =	swait.ge @!p0 [sflag:s8], $0x0  }
0x24: {  	s3 =	sadd.s32 $0x88, s3;
	s6 =	simm.s32 @!p1 $0x1082;
	[sflag:s4] =	ssyncset.s32 $0xFFFFF086  }
0x25: {  	[simem:s6], [sflag:s4] =	dma.local [hbm:s3], $0xF7A  }
0x26: {  	[smem:$0x3F95] =	sst s1;
	(tag) =	ssettag s2;
	_ =	strace s9  }
0x27: {  	s1 =	sld [smem:$0x3FA5]  }
0x28: {  	s2 =	sld [smem:$0x3FA6]  }
0x29: {  	s4 =	sld [smem:$0x3FA8]  }
0x2a: {  	p0 =	seq.s32 s5, $0x0;
	s5 =	sld [smem:$0x3FA9]  }
0x2b: {  	s6 =	sld [smem:$0x3FAA]  }
0x2c: {  	s7 =	sld [smem:$0x3FAB]  }
0x2d: {  	s3 =	simm.s32 $0x108;
	s8 =	sld [smem:$0x3FAC]  }
0x2e: {  	s3 =	simm.s32 @!p0 $0x1082;
	s9 =	sld [smem:$0x3FAD]  }
0x2f: {  	lr =	sadd.s32 s0, s3;
	s0 =	sld [smem:$0x3FA4]  }
0x30: {  	s3 =	sld [smem:$0x3FA7]  }
0x31: {  	[smem:$0x3FB0] =	sst s10  }
0x32: {  	s10 =	sld [smem:$0x3FAE];
	_ =	sdelay $0x3  }
0x33: {  	p0 =	seq.s32 s10, $0x1;
	s10 =	sld [smem:$0x3FB0];
	_ =	sdelay $0x3  }
0x34: {  	[smem:$0x3FB0] =	sst s10  }
0x35: {  	s10 =	sld [smem:$0x3FAF];
	_ =	sdelay $0x3  }
0x36: {  	p1 =	seq.s32 s10, $0x1;
	s10 =	sld [smem:$0x3FB0];
	_ =	sdelay $0x3  }
0x37: {  	[smem:$0x3FB0] =	sst s10  }
0x38: {  	s10 =	sld [smem:$0x3FB1]  }
0x39: {  	_ = 	snop;
	(pc) =	sbr.ind lr, $3  }
0x3a: {  	_ = 	snop  }
0x3b: {  	_ = 	snop  }
0x3c: {  	p2 =	seq.s32 s10, $0x1;
	s10 =	sld [smem:$0x3FB0]  }
0x3d: {  	_ =	shalt  }
0x3e: {  	_ =	shalt  }
0x3f: {  	_ =	shalt  }
0x40: {  	_ =	shalt  }
0x41: {  	_ =	shalt  }
0x42: {  	_ =	shalt  }
0x43: {  	_ =	shalt  }
0x44: {  	_ =	shalt  }
0x45: {  	_ =	shalt  }
0x46: {  	_ =	shalt  }
0x47: {  	_ =	shalt  }
0x48: {  	_ =	shalt  }
0x49: {  	_ =	shalt  }
0x4a: {  	_ =	shalt  }
0x4b: {  	_ =	shalt  }
0x4c: {  	_ =	shalt  }
0x4d: {  	_ =	shalt  }
0x4e: {  	_ =	shalt  }
0x4f: {  	_ =	shalt  }
0x50: {  	_ =	shalt  }
0x51: {  	_ =	shalt  }
0x52: {  	_ =	shalt  }
0x53: {  	_ =	shalt  }
0x54: {  	_ =	shalt  }
0x55: {  	_ =	shalt  }
0x56: {  	_ =	shalt  }
0x57: {  	_ =	shalt  }
0x58: {  	_ =	shalt  }
0x59: {  	_ =	shalt  }
0x5a: {  	_ =	shalt  }
0x5b: {  	_ =	shalt  }
0x5c: {  	_ =	shalt  }
0x5d: {  	_ =	shalt  }
0x5e: {  	_ =	shalt  }
0x5f: {  	_ =	shalt  }
0x60: {  	_ =	shalt  }
0x61: {  	_ =	shalt  }
0x62: {  	_ =	shalt  }
0x63: {  	_ =	shalt  }
0x64: {  	_ =	shalt  }
0x65: {  	_ =	shalt  }
0x66: {  	_ =	shalt  }
0x67: {  	_ =	shalt  }
0x68: {  	_ =	shalt  }
0x69: {  	_ =	shalt  }
0x6a: {  	_ =	shalt  }
0x6b: {  	_ =	shalt  }
0x6c: {  	_ =	shalt  }
0x6d: {  	_ =	shalt  }
0x6e: {  	_ =	shalt  }
0x6f: {  	_ =	shalt  }
0x70: {  	_ =	shalt  }
0x71: {  	_ =	shalt  }
0x72: {  	_ =	shalt  }
0x73: {  	_ =	shalt  }
0x74: {  	_ =	shalt  }
0x75: {  	_ =	shalt  }
0x76: {  	_ =	shalt  }
0x77: {  	_ =	shalt  }
0x78: {  	_ =	shalt  }
0x79: {  	_ =	shalt  }
0x7a: {  	_ =	shalt  }
0x7b: {  	_ =	shalt  }
0x7c: {  	_ =	shalt  }
0x7d: {  	_ =	shalt  }
0x7e: {  	_ =	shalt  }
0x7f: {  	_ =	shalt  }
0x80: {  	_ =	shalt  }
0x81: {  	_ =	shalt  }
0x82: {  	_ =	shalt  }
0x83: {  	_ =	shalt  }
0x84: {  	_ =	shalt  }
0x85: {  	_ =	shalt  }
0x86: {  	_ =	shalt  }
0x87: {  	_ =	shalt  }
.Lfunc_end0:
.L_simem_size_0:
called_computation_lowered:
.L_overlay_start_0:
0x88: {  	s2 =	sld [smem:$0x3FD9]  }
0x89: {  	s3 =	sld [smem:$0x3FFE];
	_ =	sdelay $0x1  }
0x8a: {  	s1 =	srdreg.scid  }
0x8b: {  	s0 =	sand.u32 $0x1, s1  }
0x8c: {  	s17 =	sshll.u32 s0, $0xA;
	s2 =	sadd.s32 s3, s2  }
0x8d: {  	s2 =	sadd.s32 s2, s17  }
0x8e: {  	[smem:$0x3FBC] =	sst s2  }
0x8f: {  	_ = 	snop  }
0x90: {  	s2 =	sld [smem:$0x3FD0];
	(tm) =	ssettm $0x1  }
0x91: {  	s18 =	sld [smem:$0x3FFB];
	_ =	sdelay $0x3  }
0x92: {  	_ =	strace s18  }
0x93: {  	s3 =	sld [smem:$0x3FFC];
	_ =	sdelay $0x3  }
0x94: {  	_ =	strace s3  }
0x95: {  	s3 =	sld [smem:$0x3FFD];
	_ =	sdelay $0x3  }
0x96: {  	_ =	strace s3  }
0x97: {  	_ =	strace $0x8FFFFFFF  }
0x98: {  	s19 =	sld [smem:$0x3FDB];
	_ =	sdelay $0x1  }
0x99: {  	s4 =	simm.s32 $_scs_section_size  }
0x9a: {  	s5 =	simm.s32 $_size__tile_overlayer_lowered;
	s6 =	simm.s32 $_tile_overlayer_lowered  }
0x9b: {  	s22 =	simm.s32 $0x1BFF;
	s21 =	sshll.u32 s6, $0x1;
	s3 =	sadd.s32 s4, s19  }
0x9c: {  	s7 =	simm.s32 $0x0;
	s20 =	sshll.u32 s5, $0x1;
	s5 =	sadd.s32 s21, s3  }
0x9d: {  	[timem:s7], [sflag:s22] =	dma.local [hbm:s5], s20  }
0x9e: {  	_ =	swait.ge [sflag:s22], s20  }
0x9f: {  	s4 =	ssub.s32 $0x0, s20;
	[sflag:s22] =	ssyncset.done $0x0  }
0xa0: {  	[sflag:s22] =	ssyncadd.s32 s4;
	_ =	sdelay $0x1  }
0xa1: {  	s23 =	simm.s32 $0x1B8B  }
0xa2: {  	_ =	swait.ge [sflag:s23], $0x1  }
0xa3: {  	[sflag:s23] =	ssyncset.done $0x0  }
0xa4: {  	s25 =	simm.s32 $0x1B8E;
	s24 =	sld [smem:$0x3FFE];
	[sflag:s23] =	ssyncadd.s32 $0xFFFFFFFF  }
0xa5: {  	s26 =	simm.s32 $execute0_lowered;
	[smem:$0x3FD2] =	sst s25  }
0xa6: {  	s5 =	sshll.u32 s26, $0x1;
	_ =	strace $0x80000046;
	[dreg:$0x1] =	wrdreg $0xFFFFFFFF  }
0xa7: {  	s28 =	simm.s32 $_size_execute0_lowered;
	s3 =	sadd.s32 s3, s5;
	[dreg:$0x0] =	wrdreg $0x0  }
0xa8: {  	s5 =	sshll.u32 s28, $0x1;
	[dreg:$0x2] =	wrdreg s3  }
0xa9: {  	[dreg:$0x3] =	wrdreg s5  }
0xaa: {  	[dreg:$0x4] =	wrdreg $0xC0  }
0xab: {  	_ =	task [dreg:s7], $0x5FFFF  }
0xac: {  	[dreg:$0x1] =	wrdreg $0xFFFFFFFF  }
0xad: {  	[dreg:$0x0] =	wrdreg $0x60  }
0xae: {  	[dreg:$0x2] =	wrdreg s24  }
0xaf: {  	[dreg:$0x3] =	wrdreg s2  }
0xb0: {  	[dreg:$0x4] =	wrdreg $0x68000  }
0xb1: {  	[dreg:$0x5] =	wrdreg $0x9  }
0xb2: {  	_ =	task.clear_ibuf [dreg:s7], $0x6FFFF;
	_ =	strace $0x90000046  }
0xb3: {  	s29 =	simm.s32 $0x9;
	_ =	strace $0x80000048  }
0xb4: {  	_ =	swait.ge [sflag:s29], $0x1  }
0xb5: {  	[sflag:s29] =	ssyncadd.s32 $0xFFFFFFFF  }
0xb6: {  	_ =	strace $0x90000048  }
0xb7: {  	_ =	sfence  }
0xb8: {  	s30 =	sld [smem:$0x0];
	_ =	sdelay $0x2  }
0xb9: {  	s31 =	sshll.u32 s1, $0xD;
	s1 =	sshrl.u32 s1, $0x2  }
0xba: {  	s3 =	sand.u32 $0x4000, s31;
	s1 =	sadd.s32 s1, s30  }
0xbb: {  	s0 =	sor.u32 s3, s0;
	s1 =	sshll.u32 s1, $0x11  }
0xbc: {  	s0 =	sor.u32 s1, s0  }
0xbd: {  	s0 =	sadd.s32 $0x8F2B, s0  }
0xbe: {  	[sflag:s0] =	ssyncadd.remote.s32 $0x1  }
0xbf: {  	_ =	sfence.sel $0xFFFF  }
0xc0: {  	[dreg:$0x0] =	wrdreg $0xFFFFFFFF;
	(pc) =	sbr.abs _section_cstart, $3  }
0xc1: {  	[dreg:$0x1] =	wrdreg $0xFFFFFFFF  }
0xc2: {  	_ =	task.clear_ibuf [dreg:s7], $0x2FFFF;
	_ =	strace $0x9FFFFFFF  }
0xc3: {  	(tm) =	ssettm $0x7FFFFFFF  }
tec
execute0_lowered:
.L_overlay_start_1:
0x0: {  	(tag) =	ssettag $0x1  }
0x1: {  	s7 =	rddreg [dreg:$0x0]  }
0x2: {  	s2 =	rddreg [dreg:$0x1]  }
0x3: {  	s0 =	srdreg.scid;
	s3 =	rddreg [dreg:$0x2]  }
0x4: {  	s4 =	simm.s32 $0x0;
	s14 =	simm.s32 $0x1;
	s6 =	sand.u32 $0x1, s0  }
0x5: {  	s15 =	simm.s32 $0x2800;
	s0 =	stileid.u32;
	s8 =	smul.u32 $0x13C000, s6  }
0x6: {  	s16 =	simm.s32 $0x80;
	s19 =	simm.s32 $0x0;
	s9 =	smul.u32 $0x13C00, s0  }
0x7: {  	[smem:$0x7FF] =	sst s4;
	s1 =	sshll.u32 s6, $0x4;
	s10 =	smul.u32 $0x4F000, s0  }
0x8: {  	s29 =	ssub.s32 $0x2, s6;
	s17 =	sshll.u32 s0, $0x6;
	s1 =	sor.u32 s0, s1  }
0x9: {  	s31 =	sshrl.u32 s29, $0x1;
	s17 =	sor.u32 $0x1C01, s17;
	s5 =	smul.u32 $0x500, s1  }
0xa: {  	s1 =	rddreg [dreg:$0x3];
	_ =	strace $0x80000047;
	s8 =	sadd.s32 s9, s8  }
0xb: {  	s30 =	sshrl.u32 s10, $0x2;
	s13 =	ssub.s32 s29, s31;
	s8 =	sshrl.u32 s8, $0x3  }
0xc: {  	s6 =	sadd.s32 s30, s3;
	s13 =	smax.u32 s13, $0x1;
	s11 =	sadd.s32 s5, s7  }
0xd: {  	s5 =	sadd.s32 $0xD800, s7;
	s12 =	sadd.s32 s8, s7;
	s8 =	sadd.s32 $0x4000, s6  }
0xe: {  	s9 =	sadd.s32 $0x8000, s6;
	s10 =	sadd.s32 $0xC000, s6;
	s18 =	sshrl.u32 s6, $0x3  }
0xf: {  	s7 =	sadd.s32 $0x3800, s11;
	s11 =	sadd.s32 $0x10000, s6;
	s12 =	sadd.s32 $0xE000, s12  }
.LBB2_1:
0x10: {  	[tilespmem:s4], [sflag:$0x1] =	stream.linear.gather [hbm4b:s7+s4], $0x2780, $0x38;
	[tilespmem:$0x8F80] =	vst v63  }
0x11: {  	_ =	swait.ge [sflag:s14], $0x2780  }
0x12: {  	[sflag:s14] =	ssyncset.done $0x0  }
0x13: {  	[sflag:s14] =	ssyncadd.s32 $0xFFFFD880  }
0x14: {  	[tilespmem:s15], [sflag:$0x1] =	stream.linear.gather [hbm4b:s5+s4], $0x4000, $0x38;
	[tilespmem:$0x8F80] =	vst v63  }
0x15: {  	_ =	swait.ge [sflag:s14], $0x4000  }
0x16: {  	[sflag:s14] =	ssyncset.done $0x0  }
0x17: {  	[sflag:s14] =	ssyncadd.s32 $0xFFFFC000  }
0x18: {  	[spmem:s6] =	stream.linear.scatter [tilespmem:s15], [sflag:$0x1], $0x4000, $0x38;
	[tilespmem:$0x8F80] =	vst v63  }
0x19: {  	_ =	swait.ge [sflag:s14], $0x4000  }
0x1a: {  	[sflag:s14] =	ssyncset.done $0x0  }
0x1b: {  	[sflag:s14] =	ssyncadd.s32 $0xFFFFC000  }
0x1c: {  	[spmem:s8] =	stream.linear.scatter [tilespmem:s15], [sflag:$0x1], $0x4000, $0x38;
	[tilespmem:$0x8F80] =	vst v63  }
0x1d: {  	_ =	swait.ge [sflag:s14], $0x4000  }
0x1e: {  	[sflag:s14] =	ssyncset.done $0x0  }
0x1f: {  	[sflag:s14] =	ssyncadd.s32 $0xFFFFC000  }
0x20: {  	[spmem:s9] =	stream.linear.scatter [tilespmem:s15], [sflag:$0x1], $0x4000, $0x38;
	[tilespmem:$0x8F80] =	vst v63  }
0x21: {  	_ =	swait.ge [sflag:s14], $0x4000  }
0x22: {  	[sflag:s14] =	ssyncset.done $0x0  }
0x23: {  	[sflag:s14] =	ssyncadd.s32 $0xFFFFC000  }
0x24: {  	[spmem:s10] =	stream.linear.scatter [tilespmem:s15], [sflag:$0x1], $0x4000, $0x38;
	[tilespmem:$0x8F80] =	vst v63  }
0x25: {  	_ =	swait.ge [sflag:s14], $0x4000  }
0x26: {  	[sflag:s14] =	ssyncset.done $0x0  }
0x27: {  	[sflag:s14] =	ssyncadd.s32 $0xFFFFC000  }
0x28: {  	[spmem:s11] =	stream.linear.scatter [tilespmem:s15], [sflag:$0x1], $0x3C00, $0x38;
	[tilespmem:$0x8F80] =	vst v63  }
0x29: {  	_ =	swait.ge [sflag:s14], $0x3C00  }
0x2a: {  	[sflag:s14] =	ssyncset.done $0x0  }
0x2b: {  	[sflag:s14] =	ssyncadd.s32 $0xFFFFC400  }
0x2c: {  	[tilespmem:s15], [sflag:$0x1] =	stream.linear.gather [hbm4b:s2+s4], $0x4000, $0x38;
	[tilespmem:$0x8F80] =	vst v63  }
0x2d: {  	_ =	swait.ge [sflag:s14], $0x4000  }
0x2e: {  	[sflag:s14] =	ssyncset.done $0x0  }
0x2f: {  	[sflag:s14] =	ssyncadd.s32 $0xFFFFC000  }
0x30: {  	s20 =	simm.s32 $0x0;
	[bflag:$0x0] =	sbarrier.arrive $0xFFFF  }
0x31: {  	[spmem:s3] =	stream.indirect.scatter.add.f32 [tilespmem:s15], [sflag:$0x1], $0x10, s20, s16, $0xb8;
	[tilespmem:$0x8F80] =	vst v63  }
0x32: {  	_ =	swait.ge [sflag:s14], $0x800  }
0x33: {  	s20 =	simm.s32 $0x200;
	[sflag:s14] =	ssyncset.done $0x0  }
.LBB2_2:
0x34: {  	s21 =	sshra.s32 s20, $0x2;
	[sflag:s14] =	ssyncadd.s32 $0xFFFFF800;
	p0 =	sne.s32 s20, $0x9C00  }
0x35: {  	[spmem:s3] =	stream.indirect.scatter.add.f32 [tilespmem:s15], [sflag:$0x1], $0x10, s21, s16, $0xb8;
	[tilespmem:$0x8F80] =	vst v63  }
.Ltmp0:
0x36: {  	_ = 	snop;
	(pc) =	sbr.rel @p0 .LBB2_2-.Ltmp0, $4  }
0x37: {  	_ = 	snop  }
0x38: {  	s20 =	sadd.s32 $0x200, s20  }
0x39: {  	_ =	swait.ge [sflag:s14], $0x800  }
0x3a: {  	[sflag:s14] =	ssyncset.done $0x0  }
0x3b: {  	s19 =	sadd.s32 $0x1, s19  }
0x3c: {  	[sflag:s14] =	ssyncadd.s32 $0xFFFFF800;
	p0 =	sne.s32 s19, s13  }
.Ltmp1:
0x3d: {  	[bflag:$0x0] =	sbarrier.arrive $0xFFFF;
	(pc) =	sbr.rel @p0 .LBB2_1-.Ltmp1, $4  }
0x3e: {  	[hbm:s12], [sflag:s17] =	dma.local [spmem:s18], $0x2780  }
0x3f: {  	_ =	swait.ge [sflag:s14], $0x2780  }
0x40: {  	[sflag:s14] =	ssyncset.done $0x0  }
0x41: {  	[sflag:s14] =	ssyncadd.s32 $0xFFFFD880  }
0x42: {  	_ =	sfence.sel $0x180000  }
0x43: {  	[bflag:$0x0] =	sbarrier.arrive $0xFFFF  }
0x44: {  	p0 =	sne.s32 s0, $0x0;
	_ =	strace $0x90000047  }
0x45: {  	s0 =	sadd.s32 @!p0 $0x100000, s1;
	[bflag:$0x2] =	sbarrier.arrive $0xFFFF  }
0x46: {  	[sflag:s0] =	ssyncadd.tile.s32 @!p0 $0x1;
	_ =	shalt  }
.Lfunc_end2:
_tile_overlayer_lowered:
.L_overlay_start_2:
0x47: {  	(tag) =	ssettag $0x2  }
0x48: {  	s0 =	rddreg [dreg:$0x0];
	s2 =	stileid.u32  }
0x49: {  	s1 =	rddreg [dreg:$0x1];
	p0 =	sne.s32 s2, $0x0  }
0x4a: {  	s3 =	rddreg [dreg:$0x2];
	[bflag:$0x3] =	sbarrier.arrive $0xFFFF;
	s2 =	simm.s32 @!p0 $0x1C01  }
0x4b: {  	[timem:s3], [sflag:s2] =	dma.local @!p0 [hbm:s0], s1  }
0x4c: {  	s0 =	simm.s32 @!p0 $0x1  }
0x4d: {  	_ =	swait.ge @!p0 [sflag:s0], s1  }
0x4e: {  	s1 =	ssub.s32 @!p0 $0x0, s1;
	[sflag:s0] =	ssyncset.done @!p0 $0x0  }
0x4f: {  	[sflag:s0] =	ssyncadd.s32 @!p0 s1  }
0x50: {  	[bflag:$0x3] =	sbarrier.arrive $0xFFFF  }
0x51: {  	_ =	shalt  }

// kernel: kernel.14.cloned.1.call-start
scs
__scs_entry_jumppad:
0x0: {  	(pc) =	sbr.rel $0x88, $3  }
0x1: {  	(tag) =	ssettag $0x0;
	lr =	simm.s32 $0x1  }
0x2: {  	[smem:$0x3F95] =	sst lr;
	_ =	strace $0xD0000000  }
0x3: {  	_ = 	snop  }
0x4: {  	_ = 	snop  }
0x5: {  	_ = 	snop  }
0x6: {  	_ = 	snop  }
0x7: {  	_ = 	snop  }
__scs_overlays_trampoline_lowered:
0x8: {  	[smem:$0x3FA4] =	sst s0  }
0x9: {  	[smem:$0x3FA5] =	sst s1  }
0xa: {  	[smem:$0x3FA6] =	sst s2  }
0xb: {  	[smem:$0x3FA7] =	sst s3  }
0xc: {  	[smem:$0x3FA8] =	sst s4  }
0xd: {  	[smem:$0x3FA9] =	sst s5  }
0xe: {  	[smem:$0x3FAA] =	sst s6  }
0xf: {  	[smem:$0x3FAB] =	sst s7  }
0x10: {  	[smem:$0x3FAC] =	sst s8  }
0x11: {  	[smem:$0x3FAD] =	sst s9;
	s0 =	simm.s32 @!p0 $0x0  }
0x12: {  	s1 =	sld [smem:$0x3F93];
	s0 =	simm.s32 @p0 $0x1  }
0x13: {  	[smem:$0x3FAE] =	sst s0;
	s0 =	simm.s32 @!p1 $0x0  }
0x14: {  	s2 =	sld [smem:$0x3F92];
	s0 =	simm.s32 @p1 $0x1  }
0x15: {  	[smem:$0x3FAF] =	sst s0;
	s0 =	simm.s32 @!p2 $0x0  }
0x16: {  	s3 =	sld [smem:$0x3FDB];
	s0 =	simm.s32 @p2 $0x1  }
0x17: {  	s4 =	simm.s32 $0x1BF5;
	[smem:$0x3FB1] =	sst s0  }
0x18: {  	s0 =	sld [smem:$0x3F94];
	_ =	swait.ge [sflag:s4], $0x0  }
0x19: {  	s7 =	sld [smem:$0x3F95]  }
0x1a: {  	s8 =	sadd.s32 $0xFFFFE003, lr  }
0x1b: {  	s9 =	sadd.s32 $0xFFFFFEF7, lr;
	s5 =	simm.s32 $0xFFFFFFFF;
	p2 =	slt.u32 s8, $0xFFFFF086  }
0x1c: {  	p1 =	slt.u32 s9, $0xF7A;
	s5 =	simm.s32 @!p2 $0x0  }
0x1d: {  	s5 =	simm.s32 @p1 $0x1;
	p0 =	seq.s32 s7, s2  }
0x1e: {  	s7 =	smul.u32 @!p0 $0xF7A, s2;
	p2 =	seq.s32 @!p0 s5, $0x0  }
0x1f: {  	s9 =	smul.u32 $0xF7A, s1;
	s8 =	simm.s32 @!p0 $0x1BF5;
	p2 =	por !p2, p0  }
0x20: {  	[sflag:s8] =	ssyncset.s32 @!p0 $0xFFFFF086;
	s6 =	sadd.s32 @!p0 s3, s7;
	s7 =	simm.s32 @!p0 $0x108  }
0x21: {  	s3 =	sadd.s32 s3, s9;
	s6 =	sadd.s32 @!p0 $0x88, s6;
	s7 =	simm.s32 @p2 $0x1082  }
0x22: {  	[simem:s7], [sflag:s8] =	dma.local @!p0 [hbm:s6], $0xF7A  }
0x23: {  	s9 =	sor.u32 $0xD0000000, s2;
	s6 =	simm.s32 $0x108;
	_ =	swait.ge @!p0 [sflag:s8], $0x0  }
0x24: {  	s3 =	sadd.s32 $0x88, s3;
	s6 =	simm.s32 @!p1 $0x1082;
	[sflag:s4] =	ssyncset.s32 $0xFFFFF086  }
0x25: {  	[simem:s6], [sflag:s4] =	dma.local [hbm:s3], $0xF7A  }
0x26: {  	[smem:$0x3F95] =	sst s1;
	(tag) =	ssettag s2;
	_ =	strace s9  }
0x27: {  	s1 =	sld [smem:$0x3FA5]  }
0x28: {  	s2 =	sld [smem:$0x3FA6]  }
0x29: {  	s4 =	sld [smem:$0x3FA8]  }
0x2a: {  	p0 =	seq.s32 s5, $0x0;
	s5 =	sld [smem:$0x3FA9]  }
0x2b: {  	s6 =	sld [smem:$0x3FAA]  }
0x2c: {  	s7 =	sld [smem:$0x3FAB]  }
0x2d: {  	s3 =	simm.s32 $0x108;
	s8 =	sld [smem:$0x3FAC]  }
0x2e: {  	s3 =	simm.s32 @!p0 $0x1082;
	s9 =	sld [smem:$0x3FAD]  }
0x2f: {  	lr =	sadd.s32 s0, s3;
	s0 =	sld [smem:$0x3FA4]  }
0x30: {  	s3 =	sld [smem:$0x3FA7]  }
0x31: {  	[smem:$0x3FB0] =	sst s10  }
0x32: {  	s10 =	sld [smem:$0x3FAE];
	_ =	sdelay $0x3  }
0x33: {  	p0 =	seq.s32 s10, $0x1;
	s10 =	sld [smem:$0x3FB0];
	_ =	sdelay $0x3  }
0x34: {  	[smem:$0x3FB0] =	sst s10  }
0x35: {  	s10 =	sld [smem:$0x3FAF];
	_ =	sdelay $0x3  }
0x36: {  	p1 =	seq.s32 s10, $0x1;
	s10 =	sld [smem:$0x3FB0];
	_ =	sdelay $0x3  }
0x37: {  	[smem:$0x3FB0] =	sst s10  }
0x38: {  	s10 =	sld [smem:$0x3FB1]  }
0x39: {  	_ = 	snop;
	(pc) =	sbr.ind lr, $3  }
0x3a: {  	_ = 	snop  }
0x3b: {  	_ = 	snop  }
0x3c: {  	p2 =	seq.s32 s10, $0x1;
	s10 =	sld [smem:$0x3FB0]  }
0x3d: {  	_ =	shalt  }
0x3e: {  	_ =	shalt  }
0x3f: {  	_ =	shalt  }
0x40: {  	_ =	shalt  }
0x41: {  	_ =	shalt  }
0x42: {  	_ =	shalt  }
0x43: {  	_ =	shalt  }
0x44: {  	_ =	shalt  }
0x45: {  	_ =	shalt  }
0x46: {  	_ =	shalt  }
0x47: {  	_ =	shalt  }
0x48: {  	_ =	shalt  }
0x49: {  	_ =	shalt  }
0x4a: {  	_ =	shalt  }
0x4b: {  	_ =	shalt  }
0x4c: {  	_ =	shalt  }
0x4d: {  	_ =	shalt  }
0x4e: {  	_ =	shalt  }
0x4f: {  	_ =	shalt  }
0x50: {  	_ =	shalt  }
0x51: {  	_ =	shalt  }
0x52: {  	_ =	shalt  }
0x53: {  	_ =	shalt  }
0x54: {  	_ =	shalt  }
0x55: {  	_ =	shalt  }
0x56: {  	_ =	shalt  }
0x57: {  	_ =	shalt  }
0x58: {  	_ =	shalt  }
0x59: {  	_ =	shalt  }
0x5a: {  	_ =	shalt  }
0x5b: {  	_ =	shalt  }
0x5c: {  	_ =	shalt  }
0x5d: {  	_ =	shalt  }
0x5e: {  	_ =	shalt  }
0x5f: {  	_ =	shalt  }
0x60: {  	_ =	shalt  }
0x61: {  	_ =	shalt  }
0x62: {  	_ =	shalt  }
0x63: {  	_ =	shalt  }
0x64: {  	_ =	shalt  }
0x65: {  	_ =	shalt  }
0x66: {  	_ =	shalt  }
0x67: {  	_ =	shalt  }
0x68: {  	_ =	shalt  }
0x69: {  	_ =	shalt  }
0x6a: {  	_ =	shalt  }
0x6b: {  	_ =	shalt  }
0x6c: {  	_ =	shalt  }
0x6d: {  	_ =	shalt  }
0x6e: {  	_ =	shalt  }
0x6f: {  	_ =	shalt  }
0x70: {  	_ =	shalt  }
0x71: {  	_ =	shalt  }
0x72: {  	_ =	shalt  }
0x73: {  	_ =	shalt  }
0x74: {  	_ =	shalt  }
0x75: {  	_ =	shalt  }
0x76: {  	_ =	shalt  }
0x77: {  	_ =	shalt  }
0x78: {  	_ =	shalt  }
0x79: {  	_ =	shalt  }
0x7a: {  	_ =	shalt  }
0x7b: {  	_ =	shalt  }
0x7c: {  	_ =	shalt  }
0x7d: {  	_ =	shalt  }
0x7e: {  	_ =	shalt  }
0x7f: {  	_ =	shalt  }
0x80: {  	_ =	shalt  }
0x81: {  	_ =	shalt  }
0x82: {  	_ =	shalt  }
0x83: {  	_ =	shalt  }
0x84: {  	_ =	shalt  }
0x85: {  	_ =	shalt  }
0x86: {  	_ =	shalt  }
0x87: {  	_ =	shalt  }
.Lfunc_end0:
.L_simem_size_0:
called_computation.1_lowered:
.L_overlay_start_0:
0x88: {  	s2 =	sld [smem:$0x3FD9]  }
0x89: {  	s3 =	sld [smem:$0x3FFE];
	_ =	sdelay $0x1  }
0x8a: {  	s1 =	srdreg.scid  }
0x8b: {  	s0 =	sand.u32 $0x1, s1  }
0x8c: {  	s17 =	sshll.u32 s0, $0xA;
	s2 =	sadd.s32 s3, s2  }
0x8d: {  	s2 =	sadd.s32 s2, s17  }
0x8e: {  	[smem:$0x3FBC] =	sst s2  }
0x8f: {  	_ = 	snop  }
0x90: {  	s2 =	sld [smem:$0x3FD0];
	(tm) =	ssettm $0x1  }
0x91: {  	s18 =	sld [smem:$0x3FFB];
	_ =	sdelay $0x3  }
0x92: {  	_ =	strace s18  }
0x93: {  	s3 =	sld [smem:$0x3FFC];
	_ =	sdelay $0x3  }
0x94: {  	_ =	strace s3  }
0x95: {  	s3 =	sld [smem:$0x3FFD];
	_ =	sdelay $0x3  }
0x96: {  	_ =	strace s3  }
0x97: {  	_ =	strace $0x8FFFFFFF  }
0x98: {  	s19 =	sld [smem:$0x3FDB];
	_ =	sdelay $0x1  }
0x99: {  	s4 =	simm.s32 $_scs_section_size  }
0x9a: {  	s5 =	simm.s32 $_size__tile_overlayer_lowered;
	s6 =	simm.s32 $_tile_overlayer_lowered  }
0x9b: {  	s22 =	simm.s32 $0x1BFF;
	s21 =	sshll.u32 s6, $0x1;
	s3 =	sadd.s32 s4, s19  }
0x9c: {  	s7 =	simm.s32 $0x0;
	s20 =	sshll.u32 s5, $0x1;
	s5 =	sadd.s32 s21, s3  }
0x9d: {  	[timem:s7], [sflag:s22] =	dma.local [hbm:s5], s20  }
0x9e: {  	_ =	swait.ge [sflag:s22], s20  }
0x9f: {  	s4 =	ssub.s32 $0x0, s20;
	[sflag:s22] =	ssyncset.done $0x0  }
0xa0: {  	[sflag:s22] =	ssyncadd.s32 s4;
	_ =	sdelay $0x1  }
0xa1: {  	s23 =	simm.s32 $0x1B8B  }
0xa2: {  	_ =	swait.ge [sflag:s23], $0x1  }
0xa3: {  	[sflag:s23] =	ssyncset.done $0x0  }
0xa4: {  	s25 =	simm.s32 $0x1B8E;
	s24 =	sld [smem:$0x3FFE];
	[sflag:s23] =	ssyncadd.s32 $0xFFFFFFFF  }
0xa5: {  	s26 =	simm.s32 $execute0_lowered;
	[smem:$0x3FD2] =	sst s25  }
0xa6: {  	s5 =	sshll.u32 s26, $0x1;
	_ =	strace $0x80000049;
	[dreg:$0x1] =	wrdreg $0xFFFFFFFF  }
0xa7: {  	s28 =	simm.s32 $_size_execute0_lowered;
	s3 =	sadd.s32 s3, s5;
	[dreg:$0x0] =	wrdreg $0x0  }
0xa8: {  	s5 =	sshll.u32 s28, $0x1;
	[dreg:$0x2] =	wrdreg s3  }
0xa9: {  	[dreg:$0x3] =	wrdreg s5  }
0xaa: {  	[dreg:$0x4] =	wrdreg $0xC0  }
0xab: {  	_ =	task [dreg:s7], $0x5FFFF  }
0xac: {  	[dreg:$0x1] =	wrdreg $0xFFFFFFFF  }
0xad: {  	[dreg:$0x0] =	wrdreg $0x60  }
0xae: {  	[dreg:$0x2] =	wrdreg s2  }
0xaf: {  	[dreg:$0x3] =	wrdreg s24  }
0xb0: {  	[dreg:$0x4] =	wrdreg $0x90000  }
0xb1: {  	[dreg:$0x5] =	wrdreg $0x9  }
0xb2: {  	_ =	task.clear_ibuf [dreg:s7], $0x6FFFF;
	_ =	strace $0x90000049  }
0xb3: {  	s29 =	simm.s32 $0x9;
	_ =	strace $0x8000004B  }
0xb4: {  	_ =	swait.ge [sflag:s29], $0x1  }
0xb5: {  	[sflag:s29] =	ssyncadd.s32 $0xFFFFFFFF  }
0xb6: {  	_ =	strace $0x9000004B  }
0xb7: {  	_ =	sfence  }
0xb8: {  	s30 =	sld [smem:$0x0];
	_ =	sdelay $0x2  }
0xb9: {  	s31 =	sshll.u32 s1, $0xD;
	s1 =	sshrl.u32 s1, $0x2  }
0xba: {  	s3 =	sand.u32 $0x4000, s31;
	s1 =	sadd.s32 s1, s30  }
0xbb: {  	s0 =	sor.u32 s3, s0;
	s1 =	sshll.u32 s1, $0x11  }
0xbc: {  	s0 =	sor.u32 s1, s0  }
0xbd: {  	s0 =	sadd.s32 $0x8F2B, s0  }
0xbe: {  	[sflag:s0] =	ssyncadd.remote.s32 $0x1  }
0xbf: {  	_ =	sfence.sel $0xFFFF  }
0xc0: {  	[dreg:$0x0] =	wrdreg $0xFFFFFFFF;
	(pc) =	sbr.abs _section_cstart, $3  }
0xc1: {  	[dreg:$0x1] =	wrdreg $0xFFFFFFFF  }
0xc2: {  	_ =	task.clear_ibuf [dreg:s7], $0x2FFFF;
	_ =	strace $0x9FFFFFFF  }
0xc3: {  	(tm) =	ssettm $0x7FFFFFFF  }
tec
execute0_lowered:
.L_overlay_start_1:
0x0: {  	(tag) =	ssettag $0x1  }
0x1: {  	s1 =	rddreg [dreg:$0x0]  }
0x2: {  	s6 =	rddreg [dreg:$0x1]  }
0x3: {  	s0 =	srdreg.scid;
	s3 =	rddreg [dreg:$0x2]  }
0x4: {  	s4 =	simm.s32 $0x0;
	s15 =	simm.s32 $0x2;
	s16 =	simm.s32 $0x2800  }
0x5: {  	s17 =	simm.s32 $0x5000;
	s18 =	simm.s32 $0x80;
	s5 =	sand.u32 $0x1, s0  }
0x6: {  	s19 =	simm.s32 $0x1;
	s0 =	stileid.u32;
	s8 =	smul.u32 $0x13C000, s5  }
0x7: {  	s22 =	simm.s32 $0x0;
	[smem:$0x7FF] =	sst s4;
	s9 =	smul.u32 $0x13C00, s0  }
0x8: {  	s2 =	sshll.u32 s5, $0x4;
	s30 =	ssub.s32 $0x2, s5;
	s10 =	smul.u32 $0x4F000, s0  }
0x9: {  	s5 =	sadd.s32 $0xD800, s6;
	s20 =	sshll.u32 s0, $0x6;
	s2 =	sor.u32 s0, s2  }
0xa: {  	s11 =	sshrl.u32 s30, $0x1;
	s20 =	sor.u32 $0x1C02, s20;
	s7 =	smul.u32 $0x500, s2  }
0xb: {  	s2 =	rddreg [dreg:$0x3];
	_ =	strace $0x8000004A;
	s8 =	sadd.s32 s9, s8  }
0xc: {  	s14 =	ssub.s32 s30, s11;
	s31 =	sshrl.u32 s10, $0x2;
	s8 =	sshrl.u32 s8, $0x3  }
0xd: {  	s14 =	smax.u32 s14, $0x1;
	s7 =	sadd.s32 s7, s6;
	s13 =	sadd.s32 s8, s6  }
0xe: {  	s8 =	sadd.s32 s31, s3;
	s6 =	sadd.s32 $0x5D000, s7;
	s7 =	sadd.s32 $0x3800, s7  }
0xf: {  	s9 =	sadd.s32 $0x4000, s8;
	s10 =	sadd.s32 $0x8000, s8;
	s11 =	sadd.s32 $0xC000, s8  }
0x10: {  	s12 =	sadd.s32 $0x10000, s8;
	s13 =	sadd.s32 $0xE000, s13;
	s21 =	sshrl.u32 s8, $0x3  }
.LBB2_1:
0x11: {  	[tilespmem:s4], [sflag:$0x2] =	stream.linear.gather [hbm4b:s6+s4], $0x2780, $0x38;
	[tilespmem:$0x1CC00] =	vst v63  }
0x12: {  	_ =	swait.ge [sflag:s15], $0x2780  }
0x13: {  	[sflag:s15] =	ssyncset.done $0x0  }
0x14: {  	[sflag:s15] =	ssyncadd.s32 $0xFFFFD880  }
0x15: {  	[tilespmem:s16], [sflag:$0x2] =	stream.linear.gather [hbm4b:s7+s4], $0x2780, $0x38;
	[tilespmem:$0x1CC00] =	vst v63  }
0x16: {  	_ =	swait.ge [sflag:s15], $0x2780  }
0x17: {  	[sflag:s15] =	ssyncset.done $0x0  }
0x18: {  	[sflag:s15] =	ssyncadd.s32 $0xFFFFD880  }
0x19: {  	[tilespmem:s17], [sflag:$0x2] =	stream.linear.gather [hbm4b:s5+s4], $0x4000, $0x38;
	[tilespmem:$0x1CC00] =	vst v63  }
0x1a: {  	_ =	swait.ge [sflag:s15], $0x4000  }
0x1b: {  	[sflag:s15] =	ssyncset.done $0x0  }
0x1c: {  	[sflag:s15] =	ssyncadd.s32 $0xFFFFC000  }
0x1d: {  	[spmem:s8] =	stream.linear.scatter [tilespmem:s17], [sflag:$0x2], $0x4000, $0x38;
	[tilespmem:$0x1CC00] =	vst v63  }
0x1e: {  	_ =	swait.ge [sflag:s15], $0x4000  }
0x1f: {  	[sflag:s15] =	ssyncset.done $0x0  }
0x20: {  	[sflag:s15] =	ssyncadd.s32 $0xFFFFC000  }
0x21: {  	[spmem:s9] =	stream.linear.scatter [tilespmem:s17], [sflag:$0x2], $0x4000, $0x38;
	[tilespmem:$0x1CC00] =	vst v63  }
0x22: {  	_ =	swait.ge [sflag:s15], $0x4000  }
0x23: {  	[sflag:s15] =	ssyncset.done $0x0  }
0x24: {  	[sflag:s15] =	ssyncadd.s32 $0xFFFFC000  }
0x25: {  	[spmem:s10] =	stream.linear.scatter [tilespmem:s17], [sflag:$0x2], $0x4000, $0x38;
	[tilespmem:$0x1CC00] =	vst v63  }
0x26: {  	_ =	swait.ge [sflag:s15], $0x4000  }
0x27: {  	[sflag:s15] =	ssyncset.done $0x0  }
0x28: {  	[sflag:s15] =	ssyncadd.s32 $0xFFFFC000  }
0x29: {  	[spmem:s11] =	stream.linear.scatter [tilespmem:s17], [sflag:$0x2], $0x4000, $0x38;
	[tilespmem:$0x1CC00] =	vst v63  }
0x2a: {  	_ =	swait.ge [sflag:s15], $0x4000  }
0x2b: {  	[sflag:s15] =	ssyncset.done $0x0  }
0x2c: {  	[sflag:s15] =	ssyncadd.s32 $0xFFFFC000  }
0x2d: {  	[spmem:s12] =	stream.linear.scatter [tilespmem:s17], [sflag:$0x2], $0x3C00, $0x38;
	[tilespmem:$0x1CC00] =	vst v63  }
0x2e: {  	_ =	swait.ge [sflag:s15], $0x3C00  }
0x2f: {  	[sflag:s15] =	ssyncset.done $0x0  }
0x30: {  	[sflag:s15] =	ssyncadd.s32 $0xFFFFC400  }
0x31: {  	s23 =	simm.s32 $0x0;
	[bflag:$0x0] =	sbarrier.arrive $0xFFFF  }
0x32: {  	[tilespmem:s17], [sflag:$0x1] =	stream.indirect.gather [hbm4b:s1+s18], $0x80, s23, s18, $0xb8;
	[tilespmem:$0x1CC00] =	vst v63  }
0x33: {  	_ =	swait.ge [sflag:s19], $0x4000  }
0x34: {  	[sflag:s19] =	ssyncset.done $0x0  }
0x35: {  	s31 =	simm.s32 $0x2800;
	[sflag:s19] =	ssyncadd.s32 $0xFFFFC000  }
0x36: {  	[spmem:s3] =	stream.indirect.scatter.add.f32 [tilespmem:s17], [sflag:$0x2], $0x80, s31, s18, $0xb8;
	[tilespmem:$0x1CC00] =	vst v63  }
0x37: {  	_ =	swait.ge [sflag:s15], $0x4000  }
0x38: {  	s24 =	simm.s32 $0x400;
	s23 =	simm.s32 $0x200;
	[sflag:s15] =	ssyncset.done $0x0  }
.LBB2_2:
0x39: {  	s25 =	sshra.s32 s23, $0x2  }
0x3a: {  	[sflag:s15] =	ssyncadd.s32 $0xFFFFC000;
	s23 =	smov.u32 s24;
	s26 =	sadd.s32 $0x200, s24  }
0x3b: {  	[tilespmem:s17], [sflag:$0x1] =	stream.indirect.gather [hbm4b:s1+s18], $0x80, s25, s18, $0xb8;
	[tilespmem:$0x1CC00] =	vst v63  }
0x3c: {  	p0 =	sne.s32 s24, $0x9C00;
	_ =	swait.ge [sflag:s19], $0x4000  }
.Ltmp0:
0x3d: {  	[sflag:s19] =	ssyncset.done $0x0;
	(pc) =	sbr.rel @p0 .LBB2_2-.Ltmp0, $4  }
0x3e: {  	s24 =	sadd.s32 $0x2800, s25;
	[sflag:s19] =	ssyncadd.s32 $0xFFFFC000  }
0x3f: {  	[spmem:s3] =	stream.indirect.scatter.add.f32 [tilespmem:s17], [sflag:$0x2], $0x80, s24, s18, $0xb8;
	[tilespmem:$0x1CC00] =	vst v63  }
0x40: {  	_ =	swait.ge [sflag:s15], $0x4000  }
0x41: {  	s24 =	smov.u32 s26;
	[sflag:s15] =	ssyncset.done $0x0  }
0x42: {  	s23 =	sshra.s32 s23, $0x2;
	[sflag:s15] =	ssyncadd.s32 $0xFFFFC000  }
0x43: {  	[tilespmem:s17], [sflag:$0x1] =	stream.indirect.gather [hbm4b:s1+s18], $0x80, s23, s18, $0xb8;
	[tilespmem:$0x1CC00] =	vst v63  }
0x44: {  	_ =	swait.ge [sflag:s19], $0x4000  }
0x45: {  	[sflag:s19] =	ssyncset.done $0x0  }
0x46: {  	s23 =	sadd.s32 $0x2800, s23;
	[sflag:s19] =	ssyncadd.s32 $0xFFFFC000  }
0x47: {  	[spmem:s3] =	stream.indirect.scatter.add.f32 [tilespmem:s17], [sflag:$0x2], $0x80, s23, s18, $0xb8;
	[tilespmem:$0x1CC00] =	vst v63  }
0x48: {  	_ =	swait.ge [sflag:s15], $0x4000  }
0x49: {  	s22 =	sadd.s32 $0x1, s22;
	[sflag:s15] =	ssyncset.done $0x0  }
0x4a: {  	p0 =	sne.s32 s22, s14;
	[sflag:s15] =	ssyncadd.s32 $0xFFFFC000  }
.Ltmp1:
0x4b: {  	[bflag:$0x0] =	sbarrier.arrive $0xFFFF;
	(pc) =	sbr.rel @p0 .LBB2_1-.Ltmp1, $4  }
0x4c: {  	[hbm:s13], [sflag:s20] =	dma.local [spmem:s21], $0x2780  }
0x4d: {  	_ =	swait.ge [sflag:s15], $0x2780  }
0x4e: {  	[sflag:s15] =	ssyncset.done $0x0  }
0x4f: {  	[sflag:s15] =	ssyncadd.s32 $0xFFFFD880  }
0x50: {  	_ =	sfence.sel $0x180000  }
0x51: {  	[bflag:$0x0] =	sbarrier.arrive $0xFFFF  }
0x52: {  	p0 =	sne.s32 s0, $0x0;
	_ =	strace $0x9000004A  }
0x53: {  	s0 =	sadd.s32 @!p0 $0x100000, s2;
	[bflag:$0x2] =	sbarrier.arrive $0xFFFF  }
0x54: {  	[sflag:s0] =	ssyncadd.tile.s32 @!p0 $0x1;
	_ =	shalt  }
.Lfunc_end2:
_tile_overlayer_lowered:
.L_overlay_start_2:
0x55: {  	(tag) =	ssettag $0x2  }
0x56: {  	s0 =	rddreg [dreg:$0x0];
	s2 =	stileid.u32  }
0x57: {  	s1 =	rddreg [dreg:$0x1];
	p0 =	sne.s32 s2, $0x0  }
0x58: {  	s3 =	rddreg [dreg:$0x2];
	[bflag:$0x3] =	sbarrier.arrive $0xFFFF;
	s2 =	simm.s32 @!p0 $0x1C02  }
0x59: {  	[timem:s3], [sflag:s2] =	dma.local @!p0 [hbm:s0], s1  }
0x5a: {  	s0 =	simm.s32 @!p0 $0x2  }
0x5b: {  	_ =	swait.ge @!p0 [sflag:s0], s1  }
0x5c: {  	s1 =	ssub.s32 @!p0 $0x0, s1;
	[sflag:s0] =	ssyncset.done @!p0 $0x0  }
0x5d: {  	[sflag:s0] =	ssyncadd.s32 @!p0 s1  }
0x5e: {  	[bflag:$0x3] =	sbarrier.arrive $0xFFFF  }
0x5f: {  	_ =	shalt  }

// kernel: kernel.17.cloned.1.call-start
scs
__scs_entry_jumppad:
0x0: {  	(pc) =	sbr.rel $0x88, $3  }
0x1: {  	(tag) =	ssettag $0x0;
	lr =	simm.s32 $0x1  }
0x2: {  	[smem:$0x3F95] =	sst lr;
	_ =	strace $0xD0000000  }
0x3: {  	_ = 	snop  }
0x4: {  	_ = 	snop  }
0x5: {  	_ = 	snop  }
0x6: {  	_ = 	snop  }
0x7: {  	_ = 	snop  }
__scs_overlays_trampoline_lowered:
0x8: {  	[smem:$0x3FA4] =	sst s0  }
0x9: {  	[smem:$0x3FA5] =	sst s1  }
0xa: {  	[smem:$0x3FA6] =	sst s2  }
0xb: {  	[smem:$0x3FA7] =	sst s3  }
0xc: {  	[smem:$0x3FA8] =	sst s4  }
0xd: {  	[smem:$0x3FA9] =	sst s5  }
0xe: {  	[smem:$0x3FAA] =	sst s6  }
0xf: {  	[smem:$0x3FAB] =	sst s7  }
0x10: {  	[smem:$0x3FAC] =	sst s8  }
0x11: {  	[smem:$0x3FAD] =	sst s9;
	s0 =	simm.s32 @!p0 $0x0  }
0x12: {  	s1 =	sld [smem:$0x3F93];
	s0 =	simm.s32 @p0 $0x1  }
0x13: {  	[smem:$0x3FAE] =	sst s0;
	s0 =	simm.s32 @!p1 $0x0  }
0x14: {  	s2 =	sld [smem:$0x3F92];
	s0 =	simm.s32 @p1 $0x1  }
0x15: {  	[smem:$0x3FAF] =	sst s0;
	s0 =	simm.s32 @!p2 $0x0  }
0x16: {  	s3 =	sld [smem:$0x3FDB];
	s0 =	simm.s32 @p2 $0x1  }
0x17: {  	s4 =	simm.s32 $0x1BF5;
	[smem:$0x3FB1] =	sst s0  }
0x18: {  	s0 =	sld [smem:$0x3F94];
	_ =	swait.ge [sflag:s4], $0x0  }
0x19: {  	s7 =	sld [smem:$0x3F95]  }
0x1a: {  	s8 =	sadd.s32 $0xFFFFE003, lr  }
0x1b: {  	s9 =	sadd.s32 $0xFFFFFEF7, lr;
	s5 =	simm.s32 $0xFFFFFFFF;
	p2 =	slt.u32 s8, $0xFFFFF086  }
0x1c: {  	p1 =	slt.u32 s9, $0xF7A;
	s5 =	simm.s32 @!p2 $0x0  }
0x1d: {  	s5 =	simm.s32 @p1 $0x1;
	p0 =	seq.s32 s7, s2  }
0x1e: {  	s7 =	smul.u32 @!p0 $0xF7A, s2;
	p2 =	seq.s32 @!p0 s5, $0x0  }
0x1f: {  	s9 =	smul.u32 $0xF7A, s1;
	s8 =	simm.s32 @!p0 $0x1BF5;
	p2 =	por !p2, p0  }
0x20: {  	[sflag:s8] =	ssyncset.s32 @!p0 $0xFFFFF086;
	s6 =	sadd.s32 @!p0 s3, s7;
	s7 =	simm.s32 @!p0 $0x108  }
0x21: {  	s3 =	sadd.s32 s3, s9;
	s6 =	sadd.s32 @!p0 $0x88, s6;
	s7 =	simm.s32 @p2 $0x1082  }
0x22: {  	[simem:s7], [sflag:s8] =	dma.local @!p0 [hbm:s6], $0xF7A  }
0x23: {  	s9 =	sor.u32 $0xD0000000, s2;
	s6 =	simm.s32 $0x108;
	_ =	swait.ge @!p0 [sflag:s8], $0x0  }
0x24: {  	s3 =	sadd.s32 $0x88, s3;
	s6 =	simm.s32 @!p1 $0x1082;
	[sflag:s4] =	ssyncset.s32 $0xFFFFF086  }
0x25: {  	[simem:s6], [sflag:s4] =	dma.local [hbm:s3], $0xF7A  }
0x26: {  	[smem:$0x3F95] =	sst s1;
	(tag) =	ssettag s2;
	_ =	strace s9  }
0x27: {  	s1 =	sld [smem:$0x3FA5]  }
0x28: {  	s2 =	sld [smem:$0x3FA6]  }
0x29: {  	s4 =	sld [smem:$0x3FA8]  }
0x2a: {  	p0 =	seq.s32 s5, $0x0;
	s5 =	sld [smem:$0x3FA9]  }
0x2b: {  	s6 =	sld [smem:$0x3FAA]  }
0x2c: {  	s7 =	sld [smem:$0x3FAB]  }
0x2d: {  	s3 =	simm.s32 $0x108;
	s8 =	sld [smem:$0x3FAC]  }
0x2e: {  	s3 =	simm.s32 @!p0 $0x1082;
	s9 =	sld [smem:$0x3FAD]  }
0x2f: {  	lr =	sadd.s32 s0, s3;
	s0 =	sld [smem:$0x3FA4]  }
0x30: {  	s3 =	sld [smem:$0x3FA7]  }
0x31: {  	[smem:$0x3FB0] =	sst s10  }
0x32: {  	s10 =	sld [smem:$0x3FAE];
	_ =	sdelay $0x3  }
0x33: {  	p0 =	seq.s32 s10, $0x1;
	s10 =	sld [smem:$0x3FB0];
	_ =	sdelay $0x3  }
0x34: {  	[smem:$0x3FB0] =	sst s10  }
0x35: {  	s10 =	sld [smem:$0x3FAF];
	_ =	sdelay $0x3  }
0x36: {  	p1 =	seq.s32 s10, $0x1;
	s10 =	sld [smem:$0x3FB0];
	_ =	sdelay $0x3  }
0x37: {  	[smem:$0x3FB0] =	sst s10  }
0x38: {  	s10 =	sld [smem:$0x3FB1]  }
0x39: {  	_ = 	snop;
	(pc) =	sbr.ind lr, $3  }
0x3a: {  	_ = 	snop  }
0x3b: {  	_ = 	snop  }
0x3c: {  	p2 =	seq.s32 s10, $0x1;
	s10 =	sld [smem:$0x3FB0]  }
0x3d: {  	_ =	shalt  }
0x3e: {  	_ =	shalt  }
0x3f: {  	_ =	shalt  }
0x40: {  	_ =	shalt  }
0x41: {  	_ =	shalt  }
0x42: {  	_ =	shalt  }
0x43: {  	_ =	shalt  }
0x44: {  	_ =	shalt  }
0x45: {  	_ =	shalt  }
0x46: {  	_ =	shalt  }
0x47: {  	_ =	shalt  }
0x48: {  	_ =	shalt  }
0x49: {  	_ =	shalt  }
0x4a: {  	_ =	shalt  }
0x4b: {  	_ =	shalt  }
0x4c: {  	_ =	shalt  }
0x4d: {  	_ =	shalt  }
0x4e: {  	_ =	shalt  }
0x4f: {  	_ =	shalt  }
0x50: {  	_ =	shalt  }
0x51: {  	_ =	shalt  }
0x52: {  	_ =	shalt  }
0x53: {  	_ =	shalt  }
0x54: {  	_ =	shalt  }
0x55: {  	_ =	shalt  }
0x56: {  	_ =	shalt  }
0x57: {  	_ =	shalt  }
0x58: {  	_ =	shalt  }
0x59: {  	_ =	shalt  }
0x5a: {  	_ =	shalt  }
0x5b: {  	_ =	shalt  }
0x5c: {  	_ =	shalt  }
0x5d: {  	_ =	shalt  }
0x5e: {  	_ =	shalt  }
0x5f: {  	_ =	shalt  }
0x60: {  	_ =	shalt  }
0x61: {  	_ =	shalt  }
0x62: {  	_ =	shalt  }
0x63: {  	_ =	shalt  }
0x64: {  	_ =	shalt  }
0x65: {  	_ =	shalt  }
0x66: {  	_ =	shalt  }
0x67: {  	_ =	shalt  }
0x68: {  	_ =	shalt  }
0x69: {  	_ =	shalt  }
0x6a: {  	_ =	shalt  }
0x6b: {  	_ =	shalt  }
0x6c: {  	_ =	shalt  }
0x6d: {  	_ =	shalt  }
0x6e: {  	_ =	shalt  }
0x6f: {  	_ =	shalt  }
0x70: {  	_ =	shalt  }
0x71: {  	_ =	shalt  }
0x72: {  	_ =	shalt  }
0x73: {  	_ =	shalt  }
0x74: {  	_ =	shalt  }
0x75: {  	_ =	shalt  }
0x76: {  	_ =	shalt  }
0x77: {  	_ =	shalt  }
0x78: {  	_ =	shalt  }
0x79: {  	_ =	shalt  }
0x7a: {  	_ =	shalt  }
0x7b: {  	_ =	shalt  }
0x7c: {  	_ =	shalt  }
0x7d: {  	_ =	shalt  }
0x7e: {  	_ =	shalt  }
0x7f: {  	_ =	shalt  }
0x80: {  	_ =	shalt  }
0x81: {  	_ =	shalt  }
0x82: {  	_ =	shalt  }
0x83: {  	_ =	shalt  }
0x84: {  	_ =	shalt  }
0x85: {  	_ =	shalt  }
0x86: {  	_ =	shalt  }
0x87: {  	_ =	shalt  }
.Lfunc_end0:
.L_simem_size_0:
called_computation.2_lowered:
.L_overlay_start_0:
0x88: {  	s2 =	sld [smem:$0x3FD9]  }
0x89: {  	s3 =	sld [smem:$0x3FFE];
	_ =	sdelay $0x1  }
0x8a: {  	s1 =	srdreg.scid  }
0x8b: {  	s0 =	sand.u32 $0x1, s1  }
0x8c: {  	s17 =	sshll.u32 s0, $0xA;
	s2 =	sadd.s32 s3, s2  }
0x8d: {  	s2 =	sadd.s32 s2, s17  }
0x8e: {  	[smem:$0x3FBC] =	sst s2  }
0x8f: {  	_ = 	snop  }
0x90: {  	s2 =	sld [smem:$0x3FD0];
	(tm) =	ssettm $0x1  }
0x91: {  	s18 =	sld [smem:$0x3FFB];
	_ =	sdelay $0x3  }
0x92: {  	_ =	strace s18  }
0x93: {  	s3 =	sld [smem:$0x3FFC];
	_ =	sdelay $0x3  }
0x94: {  	_ =	strace s3  }
0x95: {  	s3 =	sld [smem:$0x3FFD];
	_ =	sdelay $0x3  }
0x96: {  	_ =	strace s3  }
0x97: {  	_ =	strace $0x8FFFFFFF  }
0x98: {  	s19 =	sld [smem:$0x3FDB];
	_ =	sdelay $0x1  }
0x99: {  	s4 =	simm.s32 $_scs_section_size  }
0x9a: {  	s5 =	simm.s32 $_size__tile_overlayer_lowered;
	s6 =	simm.s32 $_tile_overlayer_lowered  }
0x9b: {  	s22 =	simm.s32 $0x1BFF;
	s21 =	sshll.u32 s6, $0x1;
	s3 =	sadd.s32 s4, s19  }
0x9c: {  	s7 =	simm.s32 $0x0;
	s20 =	sshll.u32 s5, $0x1;
	s5 =	sadd.s32 s21, s3  }
0x9d: {  	[timem:s7], [sflag:s22] =	dma.local [hbm:s5], s20  }
0x9e: {  	_ =	swait.ge [sflag:s22], s20  }
0x9f: {  	s4 =	ssub.s32 $0x0, s20;
	[sflag:s22] =	ssyncset.done $0x0  }
0xa0: {  	[sflag:s22] =	ssyncadd.s32 s4;
	_ =	sdelay $0x1  }
0xa1: {  	s23 =	simm.s32 $0x1B8B  }
0xa2: {  	_ =	swait.ge [sflag:s23], $0x1  }
0xa3: {  	[sflag:s23] =	ssyncset.done $0x0  }
0xa4: {  	s25 =	simm.s32 $0x1B8E;
	s24 =	sld [smem:$0x3FFE];
	[sflag:s23] =	ssyncadd.s32 $0xFFFFFFFF  }
0xa5: {  	s26 =	simm.s32 $execute0_lowered;
	[smem:$0x3FD2] =	sst s25  }
0xa6: {  	s5 =	sshll.u32 s26, $0x1;
	_ =	strace $0x8000004C;
	[dreg:$0x1] =	wrdreg $0xFFFFFFFF  }
0xa7: {  	s28 =	simm.s32 $_size_execute0_lowered;
	s3 =	sadd.s32 s3, s5;
	[dreg:$0x0] =	wrdreg $0x0  }
0xa8: {  	s5 =	sshll.u32 s28, $0x1;
	[dreg:$0x2] =	wrdreg s3  }
0xa9: {  	[dreg:$0x3] =	wrdreg s5  }
0xaa: {  	[dreg:$0x4] =	wrdreg $0xC0  }
0xab: {  	_ =	task [dreg:s7], $0x5FFFF  }
0xac: {  	[dreg:$0x1] =	wrdreg $0xFFFFFFFF  }
0xad: {  	[dreg:$0x0] =	wrdreg $0x60  }
0xae: {  	[dreg:$0x2] =	wrdreg s2  }
0xaf: {  	[dreg:$0x3] =	wrdreg s24  }
0xb0: {  	[dreg:$0x4] =	wrdreg $0x90000  }
0xb1: {  	[dreg:$0x5] =	wrdreg $0x9  }
0xb2: {  	_ =	task.clear_ibuf [dreg:s7], $0x6FFFF;
	_ =	strace $0x9000004C  }
0xb3: {  	s29 =	simm.s32 $0x9;
	_ =	strace $0x8000004E  }
0xb4: {  	_ =	swait.ge [sflag:s29], $0x1  }
0xb5: {  	[sflag:s29] =	ssyncadd.s32 $0xFFFFFFFF  }
0xb6: {  	_ =	strace $0x9000004E  }
0xb7: {  	_ =	sfence  }
0xb8: {  	s30 =	sld [smem:$0x0];
	_ =	sdelay $0x2  }
0xb9: {  	s31 =	sshll.u32 s1, $0xD;
	s1 =	sshrl.u32 s1, $0x2  }
0xba: {  	s3 =	sand.u32 $0x4000, s31;
	s1 =	sadd.s32 s1, s30  }
0xbb: {  	s0 =	sor.u32 s3, s0;
	s1 =	sshll.u32 s1, $0x11  }
0xbc: {  	s0 =	sor.u32 s1, s0  }
0xbd: {  	s0 =	sadd.s32 $0x8F2B, s0  }
0xbe: {  	[sflag:s0] =	ssyncadd.remote.s32 $0x1  }
0xbf: {  	_ =	sfence.sel $0xFFFF  }
0xc0: {  	[dreg:$0x0] =	wrdreg $0xFFFFFFFF;
	(pc) =	sbr.abs _section_cstart, $3  }
0xc1: {  	[dreg:$0x1] =	wrdreg $0xFFFFFFFF  }
0xc2: {  	_ =	task.clear_ibuf [dreg:s7], $0x2FFFF;
	_ =	strace $0x9FFFFFFF  }
0xc3: {  	(tm) =	ssettm $0x7FFFFFFF  }
tec
execute0_lowered:
.L_overlay_start_1:
0x0: {  	(tag) =	ssettag $0x1  }
0x1: {  	s1 =	rddreg [dreg:$0x0]  }
0x2: {  	s6 =	rddreg [dreg:$0x1]  }
0x3: {  	s0 =	srdreg.scid;
	s3 =	rddreg [dreg:$0x2]  }
0x4: {  	s4 =	simm.s32 $0x0;
	s15 =	simm.s32 $0x2;
	s16 =	simm.s32 $0x2800  }
0x5: {  	s17 =	simm.s32 $0x5000;
	s18 =	simm.s32 $0x80;
	s5 =	sand.u32 $0x1, s0  }
0x6: {  	s19 =	simm.s32 $0x1;
	s0 =	stileid.u32;
	s8 =	smul.u32 $0x13C000, s5  }
0x7: {  	s22 =	simm.s32 $0x0;
	[smem:$0x7FF] =	sst s4;
	s9 =	smul.u32 $0x13C00, s0  }
0x8: {  	s2 =	sshll.u32 s5, $0x4;
	s30 =	ssub.s32 $0x2, s5;
	s10 =	smul.u32 $0x4F000, s0  }
0x9: {  	s5 =	sadd.s32 $0xD800, s6;
	s20 =	sshll.u32 s0, $0x6;
	s2 =	sor.u32 s0, s2  }
0xa: {  	s11 =	sshrl.u32 s30, $0x1;
	s20 =	sor.u32 $0x1C02, s20;
	s7 =	smul.u32 $0x500, s2  }
0xb: {  	s2 =	rddreg [dreg:$0x3];
	_ =	strace $0x8000004D;
	s8 =	sadd.s32 s9, s8  }
0xc: {  	s14 =	ssub.s32 s30, s11;
	s31 =	sshrl.u32 s10, $0x2;
	s8 =	sshrl.u32 s8, $0x3  }
0xd: {  	s14 =	smax.u32 s14, $0x1;
	s7 =	sadd.s32 s7, s6;
	s13 =	sadd.s32 s8, s6  }
0xe: {  	s8 =	sadd.s32 s31, s3;
	s6 =	sadd.s32 $0x5D000, s7;
	s7 =	sadd.s32 $0x3800, s7  }
0xf: {  	s9 =	sadd.s32 $0x4000, s8;
	s10 =	sadd.s32 $0x8000, s8;
	s11 =	sadd.s32 $0xC000, s8  }
0x10: {  	s12 =	sadd.s32 $0x10000, s8;
	s13 =	sadd.s32 $0xE000, s13;
	s21 =	sshrl.u32 s8, $0x3  }
.LBB2_1:
0x11: {  	[tilespmem:s4], [sflag:$0x2] =	stream.linear.gather [hbm4b:s6+s4], $0x2780, $0x38;
	[tilespmem:$0x1CC00] =	vst v63  }
0x12: {  	_ =	swait.ge [sflag:s15], $0x2780  }
0x13: {  	[sflag:s15] =	ssyncset.done $0x0  }
0x14: {  	[sflag:s15] =	ssyncadd.s32 $0xFFFFD880  }
0x15: {  	[tilespmem:s16], [sflag:$0x2] =	stream.linear.gather [hbm4b:s7+s4], $0x2780, $0x38;
	[tilespmem:$0x1CC00] =	vst v63  }
0x16: {  	_ =	swait.ge [sflag:s15], $0x2780  }
0x17: {  	[sflag:s15] =	ssyncset.done $0x0  }
0x18: {  	[sflag:s15] =	ssyncadd.s32 $0xFFFFD880  }
0x19: {  	[tilespmem:s17], [sflag:$0x2] =	stream.linear.gather [hbm4b:s5+s4], $0x4000, $0x38;
	[tilespmem:$0x1CC00] =	vst v63  }
0x1a: {  	_ =	swait.ge [sflag:s15], $0x4000  }
0x1b: {  	[sflag:s15] =	ssyncset.done $0x0  }
0x1c: {  	[sflag:s15] =	ssyncadd.s32 $0xFFFFC000  }
0x1d: {  	[spmem:s8] =	stream.linear.scatter [tilespmem:s17], [sflag:$0x2], $0x4000, $0x38;
	[tilespmem:$0x1CC00] =	vst v63  }
0x1e: {  	_ =	swait.ge [sflag:s15], $0x4000  }
0x1f: {  	[sflag:s15] =	ssyncset.done $0x0  }
0x20: {  	[sflag:s15] =	ssyncadd.s32 $0xFFFFC000  }
0x21: {  	[spmem:s9] =	stream.linear.scatter [tilespmem:s17], [sflag:$0x2], $0x4000, $0x38;
	[tilespmem:$0x1CC00] =	vst v63  }
0x22: {  	_ =	swait.ge [sflag:s15], $0x4000  }
0x23: {  	[sflag:s15] =	ssyncset.done $0x0  }
0x24: {  	[sflag:s15] =	ssyncadd.s32 $0xFFFFC000  }
0x25: {  	[spmem:s10] =	stream.linear.scatter [tilespmem:s17], [sflag:$0x2], $0x4000, $0x38;
	[tilespmem:$0x1CC00] =	vst v63  }
0x26: {  	_ =	swait.ge [sflag:s15], $0x4000  }
0x27: {  	[sflag:s15] =	ssyncset.done $0x0  }
0x28: {  	[sflag:s15] =	ssyncadd.s32 $0xFFFFC000  }
0x29: {  	[spmem:s11] =	stream.linear.scatter [tilespmem:s17], [sflag:$0x2], $0x4000, $0x38;
	[tilespmem:$0x1CC00] =	vst v63  }
0x2a: {  	_ =	swait.ge [sflag:s15], $0x4000  }
0x2b: {  	[sflag:s15] =	ssyncset.done $0x0  }
0x2c: {  	[sflag:s15] =	ssyncadd.s32 $0xFFFFC000  }
0x2d: {  	[spmem:s12] =	stream.linear.scatter [tilespmem:s17], [sflag:$0x2], $0x3C00, $0x38;
	[tilespmem:$0x1CC00] =	vst v63  }
0x2e: {  	_ =	swait.ge [sflag:s15], $0x3C00  }
0x2f: {  	[sflag:s15] =	ssyncset.done $0x0  }
0x30: {  	[sflag:s15] =	ssyncadd.s32 $0xFFFFC400  }
0x31: {  	s23 =	simm.s32 $0x0;
	[bflag:$0x0] =	sbarrier.arrive $0xFFFF  }
0x32: {  	[tilespmem:s17], [sflag:$0x1] =	stream.indirect.gather [hbm4b:s1+s18], $0x80, s23, s18, $0xb8;
	[tilespmem:$0x1CC00] =	vst v63  }
0x33: {  	_ =	swait.ge [sflag:s19], $0x4000  }
0x34: {  	[sflag:s19] =	ssyncset.done $0x0  }
0x35: {  	s31 =	simm.s32 $0x2800;
	[sflag:s19] =	ssyncadd.s32 $0xFFFFC000  }
0x36: {  	[spmem:s3] =	stream.indirect.scatter.add.f32 [tilespmem:s17], [sflag:$0x2], $0x80, s31, s18, $0xb8;
	[tilespmem:$0x1CC00] =	vst v63  }
0x37: {  	_ =	swait.ge [sflag:s15], $0x4000  }
0x38: {  	s24 =	simm.s32 $0x400;
	s23 =	simm.s32 $0x200;
	[sflag:s15] =	ssyncset.done $0x0  }
.LBB2_2:
0x39: {  	s25 =	sshra.s32 s23, $0x2  }
0x3a: {  	[sflag:s15] =	ssyncadd.s32 $0xFFFFC000;
	s23 =	smov.u32 s24;
	s26 =	sadd.s32 $0x200, s24  }
0x3b: {  	[tilespmem:s17], [sflag:$0x1] =	stream.indirect.gather [hbm4b:s1+s18], $0x80, s25, s18, $0xb8;
	[tilespmem:$0x1CC00] =	vst v63  }
0x3c: {  	p0 =	sne.s32 s24, $0x9C00;
	_ =	swait.ge [sflag:s19], $0x4000  }
.Ltmp0:
0x3d: {  	[sflag:s19] =	ssyncset.done $0x0;
	(pc) =	sbr.rel @p0 .LBB2_2-.Ltmp0, $4  }
0x3e: {  	s24 =	sadd.s32 $0x2800, s25;
	[sflag:s19] =	ssyncadd.s32 $0xFFFFC000  }
0x3f: {  	[spmem:s3] =	stream.indirect.scatter.add.f32 [tilespmem:s17], [sflag:$0x2], $0x80, s24, s18, $0xb8;
	[tilespmem:$0x1CC00] =	vst v63  }
0x40: {  	_ =	swait.ge [sflag:s15], $0x4000  }
0x41: {  	s24 =	smov.u32 s26;
	[sflag:s15] =	ssyncset.done $0x0  }
0x42: {  	s23 =	sshra.s32 s23, $0x2;
	[sflag:s15] =	ssyncadd.s32 $0xFFFFC000  }
0x43: {  	[tilespmem:s17], [sflag:$0x1] =	stream.indirect.gather [hbm4b:s1+s18], $0x80, s23, s18, $0xb8;
	[tilespmem:$0x1CC00] =	vst v63  }
0x44: {  	_ =	swait.ge [sflag:s19], $0x4000  }
0x45: {  	[sflag:s19] =	ssyncset.done $0x0  }
0x46: {  	s23 =	sadd.s32 $0x2800, s23;
	[sflag:s19] =	ssyncadd.s32 $0xFFFFC000  }
0x47: {  	[spmem:s3] =	stream.indirect.scatter.add.f32 [tilespmem:s17], [sflag:$0x2], $0x80, s23, s18, $0xb8;
	[tilespmem:$0x1CC00] =	vst v63  }
0x48: {  	_ =	swait.ge [sflag:s15], $0x4000  }
0x49: {  	s22 =	sadd.s32 $0x1, s22;
	[sflag:s15] =	ssyncset.done $0x0  }
0x4a: {  	p0 =	sne.s32 s22, s14;
	[sflag:s15] =	ssyncadd.s32 $0xFFFFC000  }
.Ltmp1:
0x4b: {  	[bflag:$0x0] =	sbarrier.arrive $0xFFFF;
	(pc) =	sbr.rel @p0 .LBB2_1-.Ltmp1, $4  }
0x4c: {  	[hbm:s13], [sflag:s20] =	dma.local [spmem:s21], $0x2780  }
0x4d: {  	_ =	swait.ge [sflag:s15], $0x2780  }
0x4e: {  	[sflag:s15] =	ssyncset.done $0x0  }
0x4f: {  	[sflag:s15] =	ssyncadd.s32 $0xFFFFD880  }
0x50: {  	_ =	sfence.sel $0x180000  }
0x51: {  	[bflag:$0x0] =	sbarrier.arrive $0xFFFF  }
0x52: {  	p0 =	sne.s32 s0, $0x0;
	_ =	strace $0x9000004D  }
0x53: {  	s0 =	sadd.s32 @!p0 $0x100000, s2;
	[bflag:$0x2] =	sbarrier.arrive $0xFFFF  }
0x54: {  	[sflag:s0] =	ssyncadd.tile.s32 @!p0 $0x1;
	_ =	shalt  }
.Lfunc_end2:
_tile_overlayer_lowered:
.L_overlay_start_2:
0x55: {  	(tag) =	ssettag $0x2  }
0x56: {  	s0 =	rddreg [dreg:$0x0];
	s2 =	stileid.u32  }
0x57: {  	s1 =	rddreg [dreg:$0x1];
	p0 =	sne.s32 s2, $0x0  }
0x58: {  	s3 =	rddreg [dreg:$0x2];
	[bflag:$0x3] =	sbarrier.arrive $0xFFFF;
	s2 =	simm.s32 @!p0 $0x1C02  }
0x59: {  	[timem:s3], [sflag:s2] =	dma.local @!p0 [hbm:s0], s1  }
0x5a: {  	s0 =	simm.s32 @!p0 $0x2  }
0x5b: {  	_ =	swait.ge @!p0 [sflag:s0], s1  }
0x5c: {  	s1 =	ssub.s32 @!p0 $0x0, s1;
	[sflag:s0] =	ssyncset.done @!p0 $0x0  }
0x5d: {  	[sflag:s0] =	ssyncadd.s32 @!p0 s1  }
0x5e: {  	[bflag:$0x3] =	sbarrier.arrive $0xFFFF  }
0x5f: {  	_ =	shalt  }

// kernel: kernel.20.cloned.1.call-start
scs
__scs_entry_jumppad:
0x0: {  	(pc) =	sbr.rel $0x88, $3  }
0x1: {  	(tag) =	ssettag $0x0;
	lr =	simm.s32 $0x1  }
0x2: {  	[smem:$0x3F95] =	sst lr;
	_ =	strace $0xD0000000  }
0x3: {  	_ = 	snop  }
0x4: {  	_ = 	snop  }
0x5: {  	_ = 	snop  }
0x6: {  	_ = 	snop  }
0x7: {  	_ = 	snop  }
__scs_overlays_trampoline_lowered:
0x8: {  	[smem:$0x3FA4] =	sst s0  }
0x9: {  	[smem:$0x3FA5] =	sst s1  }
0xa: {  	[smem:$0x3FA6] =	sst s2  }
0xb: {  	[smem:$0x3FA7] =	sst s3  }
0xc: {  	[smem:$0x3FA8] =	sst s4  }
0xd: {  	[smem:$0x3FA9] =	sst s5  }
0xe: {  	[smem:$0x3FAA] =	sst s6  }
0xf: {  	[smem:$0x3FAB] =	sst s7  }
0x10: {  	[smem:$0x3FAC] =	sst s8  }
0x11: {  	[smem:$0x3FAD] =	sst s9;
	s0 =	simm.s32 @!p0 $0x0  }
0x12: {  	s1 =	sld [smem:$0x3F93];
	s0 =	simm.s32 @p0 $0x1  }
0x13: {  	[smem:$0x3FAE] =	sst s0;
	s0 =	simm.s32 @!p1 $0x0  }
0x14: {  	s2 =	sld [smem:$0x3F92];
	s0 =	simm.s32 @p1 $0x1  }
0x15: {  	[smem:$0x3FAF] =	sst s0;
	s0 =	simm.s32 @!p2 $0x0  }
0x16: {  	s3 =	sld [smem:$0x3FDB];
	s0 =	simm.s32 @p2 $0x1  }
0x17: {  	s4 =	simm.s32 $0x1BF5;
	[smem:$0x3FB1] =	sst s0  }
0x18: {  	s0 =	sld [smem:$0x3F94];
	_ =	swait.ge [sflag:s4], $0x0  }
0x19: {  	s7 =	sld [smem:$0x3F95]  }
0x1a: {  	s8 =	sadd.s32 $0xFFFFE003, lr  }
0x1b: {  	s9 =	sadd.s32 $0xFFFFFEF7, lr;
	s5 =	simm.s32 $0xFFFFFFFF;
	p2 =	slt.u32 s8, $0xFFFFF086  }
0x1c: {  	p1 =	slt.u32 s9, $0xF7A;
	s5 =	simm.s32 @!p2 $0x0  }
0x1d: {  	s5 =	simm.s32 @p1 $0x1;
	p0 =	seq.s32 s7, s2  }
0x1e: {  	s7 =	smul.u32 @!p0 $0xF7A, s2;
	p2 =	seq.s32 @!p0 s5, $0x0  }
0x1f: {  	s9 =	smul.u32 $0xF7A, s1;
	s8 =	simm.s32 @!p0 $0x1BF5;
	p2 =	por !p2, p0  }
0x20: {  	[sflag:s8] =	ssyncset.s32 @!p0 $0xFFFFF086;
	s6 =	sadd.s32 @!p0 s3, s7;
	s7 =	simm.s32 @!p0 $0x108  }
0x21: {  	s3 =	sadd.s32 s3, s9;
	s6 =	sadd.s32 @!p0 $0x88, s6;
	s7 =	simm.s32 @p2 $0x1082  }
0x22: {  	[simem:s7], [sflag:s8] =	dma.local @!p0 [hbm:s6], $0xF7A  }
0x23: {  	s9 =	sor.u32 $0xD0000000, s2;
	s6 =	simm.s32 $0x108;
	_ =	swait.ge @!p0 [sflag:s8], $0x0  }
0x24: {  	s3 =	sadd.s32 $0x88, s3;
	s6 =	simm.s32 @!p1 $0x1082;
	[sflag:s4] =	ssyncset.s32 $0xFFFFF086  }
0x25: {  	[simem:s6], [sflag:s4] =	dma.local [hbm:s3], $0xF7A  }
0x26: {  	[smem:$0x3F95] =	sst s1;
	(tag) =	ssettag s2;
	_ =	strace s9  }
0x27: {  	s1 =	sld [smem:$0x3FA5]  }
0x28: {  	s2 =	sld [smem:$0x3FA6]  }
0x29: {  	s4 =	sld [smem:$0x3FA8]  }
0x2a: {  	p0 =	seq.s32 s5, $0x0;
	s5 =	sld [smem:$0x3FA9]  }
0x2b: {  	s6 =	sld [smem:$0x3FAA]  }
0x2c: {  	s7 =	sld [smem:$0x3FAB]  }
0x2d: {  	s3 =	simm.s32 $0x108;
	s8 =	sld [smem:$0x3FAC]  }
0x2e: {  	s3 =	simm.s32 @!p0 $0x1082;
	s9 =	sld [smem:$0x3FAD]  }
0x2f: {  	lr =	sadd.s32 s0, s3;
	s0 =	sld [smem:$0x3FA4]  }
0x30: {  	s3 =	sld [smem:$0x3FA7]  }
0x31: {  	[smem:$0x3FB0] =	sst s10  }
0x32: {  	s10 =	sld [smem:$0x3FAE];
	_ =	sdelay $0x3  }
0x33: {  	p0 =	seq.s32 s10, $0x1;
	s10 =	sld [smem:$0x3FB0];
	_ =	sdelay $0x3  }
0x34: {  	[smem:$0x3FB0] =	sst s10  }
0x35: {  	s10 =	sld [smem:$0x3FAF];
	_ =	sdelay $0x3  }
0x36: {  	p1 =	seq.s32 s10, $0x1;
	s10 =	sld [smem:$0x3FB0];
	_ =	sdelay $0x3  }
0x37: {  	[smem:$0x3FB0] =	sst s10  }
0x38: {  	s10 =	sld [smem:$0x3FB1]  }
0x39: {  	_ = 	snop;
	(pc) =	sbr.ind lr, $3  }
0x3a: {  	_ = 	snop  }
0x3b: {  	_ = 	snop  }
0x3c: {  	p2 =	seq.s32 s10, $0x1;
	s10 =	sld [smem:$0x3FB0]  }
0x3d: {  	_ =	shalt  }
0x3e: {  	_ =	shalt  }
0x3f: {  	_ =	shalt  }
0x40: {  	_ =	shalt  }
0x41: {  	_ =	shalt  }
0x42: {  	_ =	shalt  }
0x43: {  	_ =	shalt  }
0x44: {  	_ =	shalt  }
0x45: {  	_ =	shalt  }
0x46: {  	_ =	shalt  }
0x47: {  	_ =	shalt  }
0x48: {  	_ =	shalt  }
0x49: {  	_ =	shalt  }
0x4a: {  	_ =	shalt  }
0x4b: {  	_ =	shalt  }
0x4c: {  	_ =	shalt  }
0x4d: {  	_ =	shalt  }
0x4e: {  	_ =	shalt  }
0x4f: {  	_ =	shalt  }
0x50: {  	_ =	shalt  }
0x51: {  	_ =	shalt  }
0x52: {  	_ =	shalt  }
0x53: {  	_ =	shalt  }
0x54: {  	_ =	shalt  }
0x55: {  	_ =	shalt  }
0x56: {  	_ =	shalt  }
0x57: {  	_ =	shalt  }
0x58: {  	_ =	shalt  }
0x59: {  	_ =	shalt  }
0x5a: {  	_ =	shalt  }
0x5b: {  	_ =	shalt  }
0x5c: {  	_ =	shalt  }
0x5d: {  	_ =	shalt  }
0x5e: {  	_ =	shalt  }
0x5f: {  	_ =	shalt  }
0x60: {  	_ =	shalt  }
0x61: {  	_ =	shalt  }
0x62: {  	_ =	shalt  }
0x63: {  	_ =	shalt  }
0x64: {  	_ =	shalt  }
0x65: {  	_ =	shalt  }
0x66: {  	_ =	shalt  }
0x67: {  	_ =	shalt  }
0x68: {  	_ =	shalt  }
0x69: {  	_ =	shalt  }
0x6a: {  	_ =	shalt  }
0x6b: {  	_ =	shalt  }
0x6c: {  	_ =	shalt  }
0x6d: {  	_ =	shalt  }
0x6e: {  	_ =	shalt  }
0x6f: {  	_ =	shalt  }
0x70: {  	_ =	shalt  }
0x71: {  	_ =	shalt  }
0x72: {  	_ =	shalt  }
0x73: {  	_ =	shalt  }
0x74: {  	_ =	shalt  }
0x75: {  	_ =	shalt  }
0x76: {  	_ =	shalt  }
0x77: {  	_ =	shalt  }
0x78: {  	_ =	shalt  }
0x79: {  	_ =	shalt  }
0x7a: {  	_ =	shalt  }
0x7b: {  	_ =	shalt  }
0x7c: {  	_ =	shalt  }
0x7d: {  	_ =	shalt  }
0x7e: {  	_ =	shalt  }
0x7f: {  	_ =	shalt  }
0x80: {  	_ =	shalt  }
0x81: {  	_ =	shalt  }
0x82: {  	_ =	shalt  }
0x83: {  	_ =	shalt  }
0x84: {  	_ =	shalt  }
0x85: {  	_ =	shalt  }
0x86: {  	_ =	shalt  }
0x87: {  	_ =	shalt  }
.Lfunc_end0:
.L_simem_size_0:
called_computation.3_lowered:
.L_overlay_start_0:
0x88: {  	s2 =	sld [smem:$0x3FD9]  }
0x89: {  	s3 =	sld [smem:$0x3FFE];
	_ =	sdelay $0x1  }
0x8a: {  	s1 =	srdreg.scid  }
0x8b: {  	s0 =	sand.u32 $0x1, s1  }
0x8c: {  	s17 =	sshll.u32 s0, $0xA;
	s2 =	sadd.s32 s3, s2  }
0x8d: {  	s2 =	sadd.s32 s2, s17  }
0x8e: {  	[smem:$0x3FBC] =	sst s2  }
0x8f: {  	_ = 	snop  }
0x90: {  	s2 =	sld [smem:$0x3FD0];
	(tm) =	ssettm $0x1  }
0x91: {  	s18 =	sld [smem:$0x3FFB];
	_ =	sdelay $0x3  }
0x92: {  	_ =	strace s18  }
0x93: {  	s3 =	sld [smem:$0x3FFC];
	_ =	sdelay $0x3  }
0x94: {  	_ =	strace s3  }
0x95: {  	s3 =	sld [smem:$0x3FFD];
	_ =	sdelay $0x3  }
0x96: {  	_ =	strace s3  }
0x97: {  	_ =	strace $0x8FFFFFFF  }
0x98: {  	s19 =	sld [smem:$0x3FDB];
	_ =	sdelay $0x1  }
0x99: {  	s4 =	simm.s32 $_scs_section_size  }
0x9a: {  	s5 =	simm.s32 $_size__tile_overlayer_lowered;
	s6 =	simm.s32 $_tile_overlayer_lowered  }
0x9b: {  	s22 =	simm.s32 $0x1BFF;
	s21 =	sshll.u32 s6, $0x1;
	s3 =	sadd.s32 s4, s19  }
0x9c: {  	s7 =	simm.s32 $0x0;
	s20 =	sshll.u32 s5, $0x1;
	s5 =	sadd.s32 s21, s3  }
0x9d: {  	[timem:s7], [sflag:s22] =	dma.local [hbm:s5], s20  }
0x9e: {  	_ =	swait.ge [sflag:s22], s20  }
0x9f: {  	s4 =	ssub.s32 $0x0, s20;
	[sflag:s22] =	ssyncset.done $0x0  }
0xa0: {  	[sflag:s22] =	ssyncadd.s32 s4;
	_ =	sdelay $0x1  }
0xa1: {  	s23 =	simm.s32 $0x1B8B  }
0xa2: {  	_ =	swait.ge [sflag:s23], $0x1  }
0xa3: {  	[sflag:s23] =	ssyncset.done $0x0  }
0xa4: {  	s25 =	simm.s32 $0x1B8E;
	s24 =	sld [smem:$0x3FFE];
	[sflag:s23] =	ssyncadd.s32 $0xFFFFFFFF  }
0xa5: {  	s26 =	simm.s32 $execute0_lowered;
	[smem:$0x3FD2] =	sst s25  }
0xa6: {  	s5 =	sshll.u32 s26, $0x1;
	_ =	strace $0x8000004F;
	[dreg:$0x1] =	wrdreg $0xFFFFFFFF  }
0xa7: {  	s28 =	simm.s32 $_size_execute0_lowered;
	s3 =	sadd.s32 s3, s5;
	[dreg:$0x0] =	wrdreg $0x0  }
0xa8: {  	s5 =	sshll.u32 s28, $0x1;
	[dreg:$0x2] =	wrdreg s3  }
0xa9: {  	[dreg:$0x3] =	wrdreg s5  }
0xaa: {  	[dreg:$0x4] =	wrdreg $0xC0  }
0xab: {  	_ =	task [dreg:s7], $0x5FFFF  }
0xac: {  	[dreg:$0x1] =	wrdreg $0xFFFFFFFF  }
0xad: {  	[dreg:$0x0] =	wrdreg $0x60  }
0xae: {  	[dreg:$0x2] =	wrdreg s2  }
0xaf: {  	[dreg:$0x3] =	wrdreg s24  }
0xb0: {  	[dreg:$0x4] =	wrdreg $0x90000  }
0xb1: {  	[dreg:$0x5] =	wrdreg $0x9  }
0xb2: {  	_ =	task.clear_ibuf [dreg:s7], $0x6FFFF;
	_ =	strace $0x9000004F  }
0xb3: {  	s29 =	simm.s32 $0x9;
	_ =	strace $0x80000051  }
0xb4: {  	_ =	swait.ge [sflag:s29], $0x1  }
0xb5: {  	[sflag:s29] =	ssyncadd.s32 $0xFFFFFFFF  }
0xb6: {  	_ =	strace $0x90000051  }
0xb7: {  	_ =	sfence  }
0xb8: {  	s30 =	sld [smem:$0x0];
	_ =	sdelay $0x2  }
0xb9: {  	s31 =	sshll.u32 s1, $0xD;
	s1 =	sshrl.u32 s1, $0x2  }
0xba: {  	s3 =	sand.u32 $0x4000, s31;
	s1 =	sadd.s32 s1, s30  }
0xbb: {  	s0 =	sor.u32 s3, s0;
	s1 =	sshll.u32 s1, $0x11  }
0xbc: {  	s0 =	sor.u32 s1, s0  }
0xbd: {  	s0 =	sadd.s32 $0x8F2B, s0  }
0xbe: {  	[sflag:s0] =	ssyncadd.remote.s32 $0x1  }
0xbf: {  	_ =	sfence.sel $0xFFFF  }
0xc0: {  	[dreg:$0x0] =	wrdreg $0xFFFFFFFF;
	(pc) =	sbr.abs _section_cstart, $3  }
0xc1: {  	[dreg:$0x1] =	wrdreg $0xFFFFFFFF  }
0xc2: {  	_ =	task.clear_ibuf [dreg:s7], $0x2FFFF;
	_ =	strace $0x9FFFFFFF  }
0xc3: {  	(tm) =	ssettm $0x7FFFFFFF  }
tec
execute0_lowered:
.L_overlay_start_1:
0x0: {  	(tag) =	ssettag $0x1  }
0x1: {  	s1 =	rddreg [dreg:$0x0]  }
0x2: {  	s6 =	rddreg [dreg:$0x1]  }
0x3: {  	s0 =	srdreg.scid;
	s3 =	rddreg [dreg:$0x2]  }
0x4: {  	s4 =	simm.s32 $0x0;
	s15 =	simm.s32 $0x2;
	s16 =	simm.s32 $0x2800  }
0x5: {  	s17 =	simm.s32 $0x5000;
	s18 =	simm.s32 $0x80;
	s5 =	sand.u32 $0x1, s0  }
0x6: {  	s19 =	simm.s32 $0x1;
	s0 =	stileid.u32;
	s8 =	smul.u32 $0x13C000, s5  }
0x7: {  	s22 =	simm.s32 $0x0;
	[smem:$0x7FF] =	sst s4;
	s9 =	smul.u32 $0x13C00, s0  }
0x8: {  	s2 =	sshll.u32 s5, $0x4;
	s30 =	ssub.s32 $0x2, s5;
	s10 =	smul.u32 $0x4F000, s0  }
0x9: {  	s5 =	sadd.s32 $0xD800, s6;
	s20 =	sshll.u32 s0, $0x6;
	s2 =	sor.u32 s0, s2  }
0xa: {  	s11 =	sshrl.u32 s30, $0x1;
	s20 =	sor.u32 $0x1C02, s20;
	s7 =	smul.u32 $0x500, s2  }
0xb: {  	s2 =	rddreg [dreg:$0x3];
	_ =	strace $0x80000050;
	s8 =	sadd.s32 s9, s8  }
0xc: {  	s14 =	ssub.s32 s30, s11;
	s31 =	sshrl.u32 s10, $0x2;
	s8 =	sshrl.u32 s8, $0x3  }
0xd: {  	s14 =	smax.u32 s14, $0x1;
	s7 =	sadd.s32 s7, s6;
	s13 =	sadd.s32 s8, s6  }
0xe: {  	s8 =	sadd.s32 s31, s3;
	s6 =	sadd.s32 $0x5D000, s7;
	s7 =	sadd.s32 $0x3800, s7  }
0xf: {  	s9 =	sadd.s32 $0x4000, s8;
	s10 =	sadd.s32 $0x8000, s8;
	s11 =	sadd.s32 $0xC000, s8  }
0x10: {  	s12 =	sadd.s32 $0x10000, s8;
	s13 =	sadd.s32 $0xE000, s13;
	s21 =	sshrl.u32 s8, $0x3  }
.LBB2_1:
0x11: {  	[tilespmem:s4], [sflag:$0x2] =	stream.linear.gather [hbm4b:s6+s4], $0x2780, $0x38;
	[tilespmem:$0x1CC00] =	vst v63  }
0x12: {  	_ =	swait.ge [sflag:s15], $0x2780  }
0x13: {  	[sflag:s15] =	ssyncset.done $0x0  }
0x14: {  	[sflag:s15] =	ssyncadd.s32 $0xFFFFD880  }
0x15: {  	[tilespmem:s16], [sflag:$0x2] =	stream.linear.gather [hbm4b:s7+s4], $0x2780, $0x38;
	[tilespmem:$0x1CC00] =	vst v63  }
0x16: {  	_ =	swait.ge [sflag:s15], $0x2780  }
0x17: {  	[sflag:s15] =	ssyncset.done $0x0  }
0x18: {  	[sflag:s15] =	ssyncadd.s32 $0xFFFFD880  }
0x19: {  	[tilespmem:s17], [sflag:$0x2] =	stream.linear.gather [hbm4b:s5+s4], $0x4000, $0x38;
	[tilespmem:$0x1CC00] =	vst v63  }
0x1a: {  	_ =	swait.ge [sflag:s15], $0x4000  }
0x1b: {  	[sflag:s15] =	ssyncset.done $0x0  }
0x1c: {  	[sflag:s15] =	ssyncadd.s32 $0xFFFFC000  }
0x1d: {  	[spmem:s8] =	stream.linear.scatter [tilespmem:s17], [sflag:$0x2], $0x4000, $0x38;
	[tilespmem:$0x1CC00] =	vst v63  }
0x1e: {  	_ =	swait.ge [sflag:s15], $0x4000  }
0x1f: {  	[sflag:s15] =	ssyncset.done $0x0  }
0x20: {  	[sflag:s15] =	ssyncadd.s32 $0xFFFFC000  }
0x21: {  	[spmem:s9] =	stream.linear.scatter [tilespmem:s17], [sflag:$0x2], $0x4000, $0x38;
	[tilespmem:$0x1CC00] =	vst v63  }
0x22: {  	_ =	swait.ge [sflag:s15], $0x4000  }
0x23: {  	[sflag:s15] =	ssyncset.done $0x0  }
0x24: {  	[sflag:s15] =	ssyncadd.s32 $0xFFFFC000  }
0x25: {  	[spmem:s10] =	stream.linear.scatter [tilespmem:s17], [sflag:$0x2], $0x4000, $0x38;
	[tilespmem:$0x1CC00] =	vst v63  }
0x26: {  	_ =	swait.ge [sflag:s15], $0x4000  }
0x27: {  	[sflag:s15] =	ssyncset.done $0x0  }
0x28: {  	[sflag:s15] =	ssyncadd.s32 $0xFFFFC000  }
0x29: {  	[spmem:s11] =	stream.linear.scatter [tilespmem:s17], [sflag:$0x2], $0x4000, $0x38;
	[tilespmem:$0x1CC00] =	vst v63  }
0x2a: {  	_ =	swait.ge [sflag:s15], $0x4000  }
0x2b: {  	[sflag:s15] =	ssyncset.done $0x0  }
0x2c: {  	[sflag:s15] =	ssyncadd.s32 $0xFFFFC000  }
0x2d: {  	[spmem:s12] =	stream.linear.scatter [tilespmem:s17], [sflag:$0x2], $0x3C00, $0x38;
	[tilespmem:$0x1CC00] =	vst v63  }
0x2e: {  	_ =	swait.ge [sflag:s15], $0x3C00  }
0x2f: {  	[sflag:s15] =	ssyncset.done $0x0  }
0x30: {  	[sflag:s15] =	ssyncadd.s32 $0xFFFFC400  }
0x31: {  	s23 =	simm.s32 $0x0;
	[bflag:$0x0] =	sbarrier.arrive $0xFFFF  }
0x32: {  	[tilespmem:s17], [sflag:$0x1] =	stream.indirect.gather [hbm4b:s1+s18], $0x80, s23, s18, $0xb8;
	[tilespmem:$0x1CC00] =	vst v63  }
0x33: {  	_ =	swait.ge [sflag:s19], $0x4000  }
0x34: {  	[sflag:s19] =	ssyncset.done $0x0  }
0x35: {  	s31 =	simm.s32 $0x2800;
	[sflag:s19] =	ssyncadd.s32 $0xFFFFC000  }
0x36: {  	[spmem:s3] =	stream.indirect.scatter.add.f32 [tilespmem:s17], [sflag:$0x2], $0x80, s31, s18, $0xb8;
	[tilespmem:$0x1CC00] =	vst v63  }
0x37: {  	_ =	swait.ge [sflag:s15], $0x4000  }
0x38: {  	s24 =	simm.s32 $0x400;
	s23 =	simm.s32 $0x200;
	[sflag:s15] =	ssyncset.done $0x0  }
.LBB2_2:
0x39: {  	s25 =	sshra.s32 s23, $0x2  }
0x3a: {  	[sflag:s15] =	ssyncadd.s32 $0xFFFFC000;
	s23 =	smov.u32 s24;
	s26 =	sadd.s32 $0x200, s24  }
0x3b: {  	[tilespmem:s17], [sflag:$0x1] =	stream.indirect.gather [hbm4b:s1+s18], $0x80, s25, s18, $0xb8;
	[tilespmem:$0x1CC00] =	vst v63  }
0x3c: {  	p0 =	sne.s32 s24, $0x9C00;
	_ =	swait.ge [sflag:s19], $0x4000  }
.Ltmp0:
0x3d: {  	[sflag:s19] =	ssyncset.done $0x0;
	(pc) =	sbr.rel @p0 .LBB2_2-.Ltmp0, $4  }
0x3e: {  	s24 =	sadd.s32 $0x2800, s25;
	[sflag:s19] =	ssyncadd.s32 $0xFFFFC000  }
0x3f: {  	[spmem:s3] =	stream.indirect.scatter.add.f32 [tilespmem:s17], [sflag:$0x2], $0x80, s24, s18, $0xb8;
	[tilespmem:$0x1CC00] =	vst v63  }
0x40: {  	_ =	swait.ge [sflag:s15], $0x4000  }
0x41: {  	s24 =	smov.u32 s26;
	[sflag:s15] =	ssyncset.done $0x0  }
0x42: {  	s23 =	sshra.s32 s23, $0x2;
	[sflag:s15] =	ssyncadd.s32 $0xFFFFC000  }
0x43: {  	[tilespmem:s17], [sflag:$0x1] =	stream.indirect.gather [hbm4b:s1+s18], $0x80, s23, s18, $0xb8;
	[tilespmem:$0x1CC00] =	vst v63  }
0x44: {  	_ =	swait.ge [sflag:s19], $0x4000  }
0x45: {  	[sflag:s19] =	ssyncset.done $0x0  }
0x46: {  	s23 =	sadd.s32 $0x2800, s23;
	[sflag:s19] =	ssyncadd.s32 $0xFFFFC000  }
0x47: {  	[spmem:s3] =	stream.indirect.scatter.add.f32 [tilespmem:s17], [sflag:$0x2], $0x80, s23, s18, $0xb8;
	[tilespmem:$0x1CC00] =	vst v63  }
0x48: {  	_ =	swait.ge [sflag:s15], $0x4000  }
0x49: {  	s22 =	sadd.s32 $0x1, s22;
	[sflag:s15] =	ssyncset.done $0x0  }
0x4a: {  	p0 =	sne.s32 s22, s14;
	[sflag:s15] =	ssyncadd.s32 $0xFFFFC000  }
.Ltmp1:
0x4b: {  	[bflag:$0x0] =	sbarrier.arrive $0xFFFF;
	(pc) =	sbr.rel @p0 .LBB2_1-.Ltmp1, $4  }
0x4c: {  	[hbm:s13], [sflag:s20] =	dma.local [spmem:s21], $0x2780  }
0x4d: {  	_ =	swait.ge [sflag:s15], $0x2780  }
0x4e: {  	[sflag:s15] =	ssyncset.done $0x0  }
0x4f: {  	[sflag:s15] =	ssyncadd.s32 $0xFFFFD880  }
0x50: {  	_ =	sfence.sel $0x180000  }
0x51: {  	[bflag:$0x0] =	sbarrier.arrive $0xFFFF  }
0x52: {  	p0 =	sne.s32 s0, $0x0;
	_ =	strace $0x90000050  }
0x53: {  	s0 =	sadd.s32 @!p0 $0x100000, s2;
	[bflag:$0x2] =	sbarrier.arrive $0xFFFF  }
0x54: {  	[sflag:s0] =	ssyncadd.tile.s32 @!p0 $0x1;
	_ =	shalt  }
.Lfunc_end2:
_tile_overlayer_lowered:
.L_overlay_start_2:
0x55: {  	(tag) =	ssettag $0x2  }
0x56: {  	s0 =	rddreg [dreg:$0x0];
	s2 =	stileid.u32  }
0x57: {  	s1 =	rddreg [dreg:$0x1];
	p0 =	sne.s32 s2, $0x0  }
0x58: {  	s3 =	rddreg [dreg:$0x2];
	[bflag:$0x3] =	sbarrier.arrive $0xFFFF;
	s2 =	simm.s32 @!p0 $0x1C02  }
0x59: {  	[timem:s3], [sflag:s2] =	dma.local @!p0 [hbm:s0], s1  }
0x5a: {  	s0 =	simm.s32 @!p0 $0x2  }
0x5b: {  	_ =	swait.ge @!p0 [sflag:s0], s1  }
0x5c: {  	s1 =	ssub.s32 @!p0 $0x0, s1;
	[sflag:s0] =	ssyncset.done @!p0 $0x0  }
0x5d: {  	[sflag:s0] =	ssyncadd.s32 @!p0 s1  }
0x5e: {  	[bflag:$0x3] =	sbarrier.arrive $0xFFFF  }
0x5f: {  	_ =	shalt  }

</sc_bundles>
